<compile_context>
chip_gen: v7x
topology: tpu7x:2x2x1
jax: 0.10.2.dev20260603
libtpu: 0.0.44.dev20260713+nightly
codegen_flags: <defaults>
</compile_context>

<pallas_src>
import functools

import jax
import jax.numpy as jnp
from jax import lax
from jax.experimental import pallas as pl
from jax.experimental.pallas import tpu as pltpu
from jax.experimental.pallas import tpu_sc as plsc


def _pool_kernel(B, S, D, NC, NS):
    NW = NC * NS
    bpw = B // NW
    mesh = plsc.VectorSubcoreMesh(core_axis_name="c", subcore_axis_name="s")
    K = 8

    @functools.partial(
        pl.kernel,
        out_type=jax.ShapeDtypeStruct((B, D), jnp.float32),
        mesh=mesh,
        scratch_types=[
            pltpu.VMEM((S, bpw), jnp.int32),
            pltpu.VMEM((bpw, D), jnp.float32),
            pltpu.SemaphoreType.DMA,
        ],
    )
    def pool(idx_hbm, table_hbm, out_hbm, idx_v, acc_v, sem):
        wid = lax.axis_index("s") * NC + lax.axis_index("c")
        pltpu.sync_copy(idx_hbm.at[wid], idx_v)
        pltpu.async_copy(table_hbm.at[idx_v.at[0]], acc_v, sem).wait()

        def drain(n):
            for _ in range(n):
                pltpu.make_async_copy(
                    table_hbm.at[pl.ds(0, bpw)], acc_v, sem
                ).wait()

        nfull = (S - 1) // K
        rem = (S - 1) % K
        for j in range(K):
            pltpu.async_copy(table_hbm.at[idx_v.at[1 + j]], acc_v, sem, add=True)

        def chunk(c, carry):
            base = 1 + c * K
            for j in range(K):
                pltpu.async_copy(table_hbm.at[idx_v.at[base + j]], acc_v, sem, add=True)
            drain(K)
            return carry

        lax.fori_loop(1, nfull, chunk, 0)
        for j in range(rem):
            pltpu.async_copy(table_hbm.at[idx_v.at[1 + nfull * K + j]], acc_v, sem, add=True)
        drain(K + rem)
        pltpu.sync_copy(acc_v, out_hbm.at[pl.ds(wid * bpw, bpw)])

    return pool


def _matmul(x, W, b2, scale, BB):
    B, D = x.shape
    C = W.shape[1]

    def mm(x_ref, w_ref, b_ref, o_ref):
        x16 = (x_ref[...] * scale).astype(jnp.bfloat16)
        w16 = w_ref[...].astype(jnp.bfloat16)
        o_ref[...] = (
            jnp.dot(x16, w16, preferred_element_type=jnp.float32) + b_ref[...]
        )

    return pl.pallas_call(
        mm,
        grid=(B // BB,),
        in_specs=[
            pl.BlockSpec((BB, D), lambda i: (i, 0)),
            pl.BlockSpec((D, C), lambda i: (0, 0)),
            pl.BlockSpec((1, C), lambda i: (0, 0)),
        ],
        out_specs=pl.BlockSpec((BB, C), lambda i: (i, 0)),
        out_shape=jax.ShapeDtypeStruct((B, C), jnp.float32),
    )(x, W, b2)


def kernel(text, embed_table, W, b):
    B, S = text.shape
    V, D = embed_table.shape
    C = W.shape[1]
    try:
        info = plsc.get_sparse_core_info()
        NC, NS = info.num_cores, info.num_subcores
    except Exception:
        NC, NS = 2, 16
    NW = NC * NS
    bpw = B // NW
    idx = text.reshape(NW, bpw, S).transpose(0, 2, 1)
    pooled = _pool_kernel(B, S, D, NC, NS)(idx, embed_table)
    return _matmul(pooled, W, b.reshape(1, C), 1.0 / S, 1024)

# --- scband reference (transcript-rebuilt; emitter-appended) ---
"""Pipeline reference for scband-base-56040733278288 (READ-ONLY COPY).

The authoritative reference and input builder live on the scoring server;
editing this copy changes nothing except your own understanding.
"""

import jax, jax.numpy as jnp
import numpy as np

VOCAB = 100000
EMBED_DIM = 128
NUM_CLASS = 1000
BATCH = 4096
SEQ = 200

def setup_inputs(seed: int = 0) -> dict:
    key = jax.random.key(seed)
    k1, k2, k3, k4 = jax.random.split(key, 4)
    text = jax.random.randint(k1, (BATCH, SEQ), 0, VOCAB, dtype=jnp.int64 if jax.config.jax_enable_x64 else jnp.int32).astype(jnp.int32)
    embed_table = jax.random.normal(k2, (VOCAB, EMBED_DIM), dtype=jnp.float32)
    W = jax.random.normal(k3, (EMBED_DIM, NUM_CLASS), dtype=jnp.float32) * (1.0 / np.sqrt(EMBED_DIM))
    b = jax.random.normal(k4, (NUM_CLASS,), dtype=jnp.float32) * 0.01
    return {"text": text, "embed_table": embed_table, "W": W, "b": b}

def reference(text, embed_table, W, b):
    # nn.Embedding.from_pretrained -> gather rows of the table
    embedded = jnp.take(embed_table, text, axis=0)  # [B, L, D]
    # torch.mean(embedded, dim=1)
    embedded_mean = jnp.mean(embedded, axis=1)      # [B, D]
    # nn.Linear
    return embedded_mean @ W + b                    # [B, num_class]

if __name__ == "__main__":
    import jax
    _d = setup_inputs()
    print(jax.jit(kernel)(*tuple(_d.values())))

</pallas_src>

<mosaic_0001>
#map = affine_map<(d0, d1) -> (0, 0, 0)>
#map1 = affine_map<(d0, d1) -> (0, 0)>
module attributes {stable_mosaic.version = 14 : i64} {
  func.func @pool(%arg0: i32, %arg1: i32, %arg2: memref<32x200x128xi32, #tpu.memory_space<hbm>>, %arg3: memref<100000x128xf32, #tpu.memory_space<hbm>>, %arg4: memref<4096x128xf32, #tpu.memory_space<hbm>>, %arg5: memref<200x128xi32, #tpu.memory_space<vmem>>, %arg6: memref<128x128xf32, #tpu.memory_space<vmem>>, %arg7: memref<!tpu.dma_semaphore, #tpu.memory_space<semaphore_mem>>) attributes {dimension_semantics = [#tpu.dimension_semantics<core_parallel>, #tpu.dimension_semantics<subcore_parallel>], iteration_bounds = array<i64: 2, 16>, scalar_prefetch = 0 : i64, scratch_operands = 3 : i64, tpu.core_type = #tpu.core_type<sc_vector_subcore>, window_params = [{transform_indices = #map}, {transform_indices = #map1}, {transform_indices = #map1}]} {
    %mul3A = arith.constant 2 : i32
    %mul3A_0 = arith.muli %arg1, %mul3A : i32
    %add3A = arith.addi %mul3A_0, %arg0 : i32
    "tpu.region"() ({
      %run_scoped3A = tpu.sem_alloc : memref<!tpu.dma_semaphore, #tpu.memory_space<semaphore_mem>>
      %dma_start3A_215 = arith.constant 0 : i32
      %dma_start3A_216 = arith.constant 0 : i32
      %dma_start3A_217 = tpu.memref_slice %arg2[%add3A, %dma_start3A_215, %dma_start3A_216] : memref<32x200x128xi32, #tpu.memory_space<hbm>> -> memref<1x200x128xi32, #tpu.memory_space<hbm>>
      %dma_start3A_218 = tpu.memref_squeeze %dma_start3A_217 : memref<1x200x128xi32, #tpu.memory_space<hbm>> -> memref<200x128xi32, #tpu.memory_space<hbm>>
      %dma_start3A_219 = arith.constant 0 : i32
      %dma_start3A_220 = arith.constant 0 : i32
      %dma_start3A_221 = tpu.memref_slice %arg2[%add3A, %dma_start3A_219, %dma_start3A_220] : memref<32x200x128xi32, #tpu.memory_space<hbm>> -> memref<1x200x128xi32, #tpu.memory_space<hbm>>
      %dma_start3A_222 = tpu.memref_squeeze %dma_start3A_221 : memref<1x200x128xi32, #tpu.memory_space<hbm>> -> memref<200x128xi32, #tpu.memory_space<hbm>>
      tpu.enqueue_dma source(%dma_start3A_222 : memref<200x128xi32, #tpu.memory_space<hbm>>) target(%arg5 : memref<200x128xi32, #tpu.memory_space<vmem>>) target_semaphore(%run_scoped3A : memref<!tpu.dma_semaphore, #tpu.memory_space<semaphore_mem>>)
      %dma_wait3A_223 = arith.constant 0 : i32
      %dma_wait3A_224 = arith.constant 0 : i32
      %dma_wait3A_225 = tpu.memref_slice %arg2[%add3A, %dma_wait3A_223, %dma_wait3A_224] : memref<32x200x128xi32, #tpu.memory_space<hbm>> -> memref<1x200x128xi32, #tpu.memory_space<hbm>>
      %dma_wait3A_226 = tpu.memref_squeeze %dma_wait3A_225 : memref<1x200x128xi32, #tpu.memory_space<hbm>> -> memref<200x128xi32, #tpu.memory_space<hbm>>
      %dma_wait3A_227 = arith.constant 0 : i32
      %dma_wait3A_228 = arith.constant 0 : i32
      %dma_wait3A_229 = tpu.memref_slice %arg2[%add3A, %dma_wait3A_227, %dma_wait3A_228] : memref<32x200x128xi32, #tpu.memory_space<hbm>> -> memref<1x200x128xi32, #tpu.memory_space<hbm>>
      %dma_wait3A_230 = tpu.memref_squeeze %dma_wait3A_229 : memref<1x200x128xi32, #tpu.memory_space<hbm>> -> memref<200x128xi32, #tpu.memory_space<hbm>>
      tpu.wait_dma2 semaphore(%run_scoped3A : memref<!tpu.dma_semaphore, #tpu.memory_space<semaphore_mem>>) src(%dma_wait3A_230 : memref<200x128xi32, #tpu.memory_space<hbm>>) dst(%arg5 : memref<200x128xi32, #tpu.memory_space<vmem>>)
      tpu.yield
    }) : () -> ()
    %dma_start3A = arith.constant 0 : i32
    %dma_start3A_1 = arith.constant 0 : i32
    %dma_start3A_2 = tpu.memref_slice %arg5[%dma_start3A, %dma_start3A_1] : memref<200x128xi32, #tpu.memory_space<vmem>> -> memref<1x128xi32, #tpu.memory_space<vmem>>
    %dma_start3A_3 = tpu.memref_squeeze %dma_start3A_2 : memref<1x128xi32, #tpu.memory_space<vmem>> -> memref<128xi32, #tpu.memory_space<vmem>>
    %dma_start3A_4 = arith.constant 0 : i32
    %dma_start3A_5 = arith.constant 0 : i32
    %dma_start3A_6 = tpu.memref_slice %arg3[%dma_start3A_4, %dma_start3A_5] : memref<100000x128xf32, #tpu.memory_space<hbm>> -> memref<100000x128xf32, #tpu.memory_space<hbm>>
    tpu.enqueue_indirect_dma source(%dma_start3A_6 : memref<100000x128xf32, #tpu.memory_space<hbm>>) target(%arg6 : memref<128x128xf32, #tpu.memory_space<vmem>>) offsets(%dma_start3A_3 : memref<128xi32, #tpu.memory_space<vmem>>) semaphore(%arg7 : memref<!tpu.dma_semaphore, #tpu.memory_space<semaphore_mem>>)
    %dma_wait3A = arith.constant 0 : i32
    %dma_wait3A_7 = arith.constant 0 : i32
    %dma_wait3A_8 = tpu.memref_slice %arg5[%dma_wait3A, %dma_wait3A_7] : memref<200x128xi32, #tpu.memory_space<vmem>> -> memref<1x128xi32, #tpu.memory_space<vmem>>
    %dma_wait3A_9 = tpu.memref_squeeze %dma_wait3A_8 : memref<1x128xi32, #tpu.memory_space<vmem>> -> memref<128xi32, #tpu.memory_space<vmem>>
    %dma_wait3A_10 = arith.constant 0 : i32
    %dma_wait3A_11 = arith.constant 0 : i32
    %dma_wait3A_12 = tpu.memref_slice %arg3[%dma_wait3A_10, %dma_wait3A_11] : memref<100000x128xf32, #tpu.memory_space<hbm>> -> memref<100000x128xf32, #tpu.memory_space<hbm>>
    tpu.wait_indirect_dma semaphore(%arg7 : memref<!tpu.dma_semaphore, #tpu.memory_space<semaphore_mem>>) src(%dma_wait3A_12 : memref<100000x128xf32, #tpu.memory_space<hbm>>) dst(%arg6 : memref<128x128xf32, #tpu.memory_space<vmem>>)
    %dma_start3A_13 = arith.constant 1 : i32
    %dma_start3A_14 = arith.constant 0 : i32
    %dma_start3A_15 = tpu.memref_slice %arg5[%dma_start3A_13, %dma_start3A_14] : memref<200x128xi32, #tpu.memory_space<vmem>> -> memref<1x128xi32, #tpu.memory_space<vmem>>
    %dma_start3A_16 = tpu.memref_squeeze %dma_start3A_15 : memref<1x128xi32, #tpu.memory_space<vmem>> -> memref<128xi32, #tpu.memory_space<vmem>>
    %dma_start3A_17 = arith.constant 0 : i32
    %dma_start3A_18 = arith.constant 0 : i32
    %dma_start3A_19 = tpu.memref_slice %arg3[%dma_start3A_17, %dma_start3A_18] : memref<100000x128xf32, #tpu.memory_space<hbm>> -> memref<100000x128xf32, #tpu.memory_space<hbm>>
    tpu.enqueue_indirect_dma source(%dma_start3A_19 : memref<100000x128xf32, #tpu.memory_space<hbm>>) target(%arg6 : memref<128x128xf32, #tpu.memory_space<vmem>>) offsets(%dma_start3A_16 : memref<128xi32, #tpu.memory_space<vmem>>) semaphore(%arg7 : memref<!tpu.dma_semaphore, #tpu.memory_space<semaphore_mem>>) {add = true}
    %dma_start3A_20 = arith.constant 2 : i32
    %dma_start3A_21 = arith.constant 0 : i32
    %dma_start3A_22 = tpu.memref_slice %arg5[%dma_start3A_20, %dma_start3A_21] : memref<200x128xi32, #tpu.memory_space<vmem>> -> memref<1x128xi32, #tpu.memory_space<vmem>>
    %dma_start3A_23 = tpu.memref_squeeze %dma_start3A_22 : memref<1x128xi32, #tpu.memory_space<vmem>> -> memref<128xi32, #tpu.memory_space<vmem>>
    %dma_start3A_24 = arith.constant 0 : i32
    %dma_start3A_25 = arith.constant 0 : i32
    %dma_start3A_26 = tpu.memref_slice %arg3[%dma_start3A_24, %dma_start3A_25] : memref<100000x128xf32, #tpu.memory_space<hbm>> -> memref<100000x128xf32, #tpu.memory_space<hbm>>
    tpu.enqueue_indirect_dma source(%dma_start3A_26 : memref<100000x128xf32, #tpu.memory_space<hbm>>) target(%arg6 : memref<128x128xf32, #tpu.memory_space<vmem>>) offsets(%dma_start3A_23 : memref<128xi32, #tpu.memory_space<vmem>>) semaphore(%arg7 : memref<!tpu.dma_semaphore, #tpu.memory_space<semaphore_mem>>) {add = true}
    %dma_start3A_27 = arith.constant 3 : i32
    %dma_start3A_28 = arith.constant 0 : i32
    %dma_start3A_29 = tpu.memref_slice %arg5[%dma_start3A_27, %dma_start3A_28] : memref<200x128xi32, #tpu.memory_space<vmem>> -> memref<1x128xi32, #tpu.memory_space<vmem>>
    %dma_start3A_30 = tpu.memref_squeeze %dma_start3A_29 : memref<1x128xi32, #tpu.memory_space<vmem>> -> memref<128xi32, #tpu.memory_space<vmem>>
    %dma_start3A_31 = arith.constant 0 : i32
    %dma_start3A_32 = arith.constant 0 : i32
    %dma_start3A_33 = tpu.memref_slice %arg3[%dma_start3A_31, %dma_start3A_32] : memref<100000x128xf32, #tpu.memory_space<hbm>> -> memref<100000x128xf32, #tpu.memory_space<hbm>>
    tpu.enqueue_indirect_dma source(%dma_start3A_33 : memref<100000x128xf32, #tpu.memory_space<hbm>>) target(%arg6 : memref<128x128xf32, #tpu.memory_space<vmem>>) offsets(%dma_start3A_30 : memref<128xi32, #tpu.memory_space<vmem>>) semaphore(%arg7 : memref<!tpu.dma_semaphore, #tpu.memory_space<semaphore_mem>>) {add = true}
    %dma_start3A_34 = arith.constant 4 : i32
    %dma_start3A_35 = arith.constant 0 : i32
    %dma_start3A_36 = tpu.memref_slice %arg5[%dma_start3A_34, %dma_start3A_35] : memref<200x128xi32, #tpu.memory_space<vmem>> -> memref<1x128xi32, #tpu.memory_space<vmem>>
    %dma_start3A_37 = tpu.memref_squeeze %dma_start3A_36 : memref<1x128xi32, #tpu.memory_space<vmem>> -> memref<128xi32, #tpu.memory_space<vmem>>
    %dma_start3A_38 = arith.constant 0 : i32
    %dma_start3A_39 = arith.constant 0 : i32
    %dma_start3A_40 = tpu.memref_slice %arg3[%dma_start3A_38, %dma_start3A_39] : memref<100000x128xf32, #tpu.memory_space<hbm>> -> memref<100000x128xf32, #tpu.memory_space<hbm>>
    tpu.enqueue_indirect_dma source(%dma_start3A_40 : memref<100000x128xf32, #tpu.memory_space<hbm>>) target(%arg6 : memref<128x128xf32, #tpu.memory_space<vmem>>) offsets(%dma_start3A_37 : memref<128xi32, #tpu.memory_space<vmem>>) semaphore(%arg7 : memref<!tpu.dma_semaphore, #tpu.memory_space<semaphore_mem>>) {add = true}
    %dma_start3A_41 = arith.constant 5 : i32
    %dma_start3A_42 = arith.constant 0 : i32
    %dma_start3A_43 = tpu.memref_slice %arg5[%dma_start3A_41, %dma_start3A_42] : memref<200x128xi32, #tpu.memory_space<vmem>> -> memref<1x128xi32, #tpu.memory_space<vmem>>
    %dma_start3A_44 = tpu.memref_squeeze %dma_start3A_43 : memref<1x128xi32, #tpu.memory_space<vmem>> -> memref<128xi32, #tpu.memory_space<vmem>>
    %dma_start3A_45 = arith.constant 0 : i32
    %dma_start3A_46 = arith.constant 0 : i32
    %dma_start3A_47 = tpu.memref_slice %arg3[%dma_start3A_45, %dma_start3A_46] : memref<100000x128xf32, #tpu.memory_space<hbm>> -> memref<100000x128xf32, #tpu.memory_space<hbm>>
    tpu.enqueue_indirect_dma source(%dma_start3A_47 : memref<100000x128xf32, #tpu.memory_space<hbm>>) target(%arg6 : memref<128x128xf32, #tpu.memory_space<vmem>>) offsets(%dma_start3A_44 : memref<128xi32, #tpu.memory_space<vmem>>) semaphore(%arg7 : memref<!tpu.dma_semaphore, #tpu.memory_space<semaphore_mem>>) {add = true}
    %dma_start3A_48 = arith.constant 6 : i32
    %dma_start3A_49 = arith.constant 0 : i32
    %dma_start3A_50 = tpu.memref_slice %arg5[%dma_start3A_48, %dma_start3A_49] : memref<200x128xi32, #tpu.memory_space<vmem>> -> memref<1x128xi32, #tpu.memory_space<vmem>>
    %dma_start3A_51 = tpu.memref_squeeze %dma_start3A_50 : memref<1x128xi32, #tpu.memory_space<vmem>> -> memref<128xi32, #tpu.memory_space<vmem>>
    %dma_start3A_52 = arith.constant 0 : i32
    %dma_start3A_53 = arith.constant 0 : i32
    %dma_start3A_54 = tpu.memref_slice %arg3[%dma_start3A_52, %dma_start3A_53] : memref<100000x128xf32, #tpu.memory_space<hbm>> -> memref<100000x128xf32, #tpu.memory_space<hbm>>
    tpu.enqueue_indirect_dma source(%dma_start3A_54 : memref<100000x128xf32, #tpu.memory_space<hbm>>) target(%arg6 : memref<128x128xf32, #tpu.memory_space<vmem>>) offsets(%dma_start3A_51 : memref<128xi32, #tpu.memory_space<vmem>>) semaphore(%arg7 : memref<!tpu.dma_semaphore, #tpu.memory_space<semaphore_mem>>) {add = true}
    %dma_start3A_55 = arith.constant 7 : i32
    %dma_start3A_56 = arith.constant 0 : i32
    %dma_start3A_57 = tpu.memref_slice %arg5[%dma_start3A_55, %dma_start3A_56] : memref<200x128xi32, #tpu.memory_space<vmem>> -> memref<1x128xi32, #tpu.memory_space<vmem>>
    %dma_start3A_58 = tpu.memref_squeeze %dma_start3A_57 : memref<1x128xi32, #tpu.memory_space<vmem>> -> memref<128xi32, #tpu.memory_space<vmem>>
    %dma_start3A_59 = arith.constant 0 : i32
    %dma_start3A_60 = arith.constant 0 : i32
    %dma_start3A_61 = tpu.memref_slice %arg3[%dma_start3A_59, %dma_start3A_60] : memref<100000x128xf32, #tpu.memory_space<hbm>> -> memref<100000x128xf32, #tpu.memory_space<hbm>>
    tpu.enqueue_indirect_dma source(%dma_start3A_61 : memref<100000x128xf32, #tpu.memory_space<hbm>>) target(%arg6 : memref<128x128xf32, #tpu.memory_space<vmem>>) offsets(%dma_start3A_58 : memref<128xi32, #tpu.memory_space<vmem>>) semaphore(%arg7 : memref<!tpu.dma_semaphore, #tpu.memory_space<semaphore_mem>>) {add = true}
    %dma_start3A_62 = arith.constant 8 : i32
    %dma_start3A_63 = arith.constant 0 : i32
    %dma_start3A_64 = tpu.memref_slice %arg5[%dma_start3A_62, %dma_start3A_63] : memref<200x128xi32, #tpu.memory_space<vmem>> -> memref<1x128xi32, #tpu.memory_space<vmem>>
    %dma_start3A_65 = tpu.memref_squeeze %dma_start3A_64 : memref<1x128xi32, #tpu.memory_space<vmem>> -> memref<128xi32, #tpu.memory_space<vmem>>
    %dma_start3A_66 = arith.constant 0 : i32
    %dma_start3A_67 = arith.constant 0 : i32
    %dma_start3A_68 = tpu.memref_slice %arg3[%dma_start3A_66, %dma_start3A_67] : memref<100000x128xf32, #tpu.memory_space<hbm>> -> memref<100000x128xf32, #tpu.memory_space<hbm>>
    tpu.enqueue_indirect_dma source(%dma_start3A_68 : memref<100000x128xf32, #tpu.memory_space<hbm>>) target(%arg6 : memref<128x128xf32, #tpu.memory_space<vmem>>) offsets(%dma_start3A_65 : memref<128xi32, #tpu.memory_space<vmem>>) semaphore(%arg7 : memref<!tpu.dma_semaphore, #tpu.memory_space<semaphore_mem>>) {add = true}
    %scan3A = arith.constant 0 : i32
    %scan3A_69 = arith.constant 1 : i32
    %scan3A_70 = arith.constant 23 : i32
    %scan3A_71 = arith.addi %scan3A_69, %scan3A_70 : i32
    %scan3A_72 = arith.constant 1 : i32
    scf.for %scan3A_215 = %scan3A_69 to %scan3A_71 step %scan3A_72  : i32 {
      %mul3A_216 = arith.constant 8 : i32
      %mul3A_217 = arith.muli %scan3A_215, %mul3A_216 : i32
      %add3A_218 = arith.constant 1 : i32
      %add3A_219 = arith.addi %add3A_218, %mul3A_217 : i32
      %add3A_220 = arith.constant 0 : i32
      %add3A_221 = arith.addi %add3A_219, %add3A_220 : i32
      %dma_start3A_222 = arith.constant 0 : i32
      %dma_start3A_223 = tpu.memref_slice %arg5[%add3A_221, %dma_start3A_222] : memref<200x128xi32, #tpu.memory_space<vmem>> -> memref<1x128xi32, #tpu.memory_space<vmem>>
      %dma_start3A_224 = tpu.memref_squeeze %dma_start3A_223 : memref<1x128xi32, #tpu.memory_space<vmem>> -> memref<128xi32, #tpu.memory_space<vmem>>
      %dma_start3A_225 = arith.constant 0 : i32
      %dma_start3A_226 = arith.constant 0 : i32
      %dma_start3A_227 = tpu.memref_slice %arg3[%dma_start3A_225, %dma_start3A_226] : memref<100000x128xf32, #tpu.memory_space<hbm>> -> memref<100000x128xf32, #tpu.memory_space<hbm>>
      tpu.enqueue_indirect_dma source(%dma_start3A_227 : memref<100000x128xf32, #tpu.memory_space<hbm>>) target(%arg6 : memref<128x128xf32, #tpu.memory_space<vmem>>) offsets(%dma_start3A_224 : memref<128xi32, #tpu.memory_space<vmem>>) semaphore(%arg7 : memref<!tpu.dma_semaphore, #tpu.memory_space<semaphore_mem>>) {add = true}
      %add3A_228 = arith.constant 1 : i32
      %add3A_229 = arith.addi %add3A_219, %add3A_228 : i32
      %dma_start3A_230 = arith.constant 0 : i32
      %dma_start3A_231 = tpu.memref_slice %arg5[%add3A_229, %dma_start3A_230] : memref<200x128xi32, #tpu.memory_space<vmem>> -> memref<1x128xi32, #tpu.memory_space<vmem>>
      %dma_start3A_232 = tpu.memref_squeeze %dma_start3A_231 : memref<1x128xi32, #tpu.memory_space<vmem>> -> memref<128xi32, #tpu.memory_space<vmem>>
      %dma_start3A_233 = arith.constant 0 : i32
      %dma_start3A_234 = arith.constant 0 : i32
      %dma_start3A_235 = tpu.memref_slice %arg3[%dma_start3A_233, %dma_start3A_234] : memref<100000x128xf32, #tpu.memory_space<hbm>> -> memref<100000x128xf32, #tpu.memory_space<hbm>>
      tpu.enqueue_indirect_dma source(%dma_start3A_235 : memref<100000x128xf32, #tpu.memory_space<hbm>>) target(%arg6 : memref<128x128xf32, #tpu.memory_space<vmem>>) offsets(%dma_start3A_232 : memref<128xi32, #tpu.memory_space<vmem>>) semaphore(%arg7 : memref<!tpu.dma_semaphore, #tpu.memory_space<semaphore_mem>>) {add = true}
      %add3A_236 = arith.constant 2 : i32
      %add3A_237 = arith.addi %add3A_219, %add3A_236 : i32
      %dma_start3A_238 = arith.constant 0 : i32
      %dma_start3A_239 = tpu.memref_slice %arg5[%add3A_237, %dma_start3A_238] : memref<200x128xi32, #tpu.memory_space<vmem>> -> memref<1x128xi32, #tpu.memory_space<vmem>>
      %dma_start3A_240 = tpu.memref_squeeze %dma_start3A_239 : memref<1x128xi32, #tpu.memory_space<vmem>> -> memref<128xi32, #tpu.memory_space<vmem>>
      %dma_start3A_241 = arith.constant 0 : i32
      %dma_start3A_242 = arith.constant 0 : i32
      %dma_start3A_243 = tpu.memref_slice %arg3[%dma_start3A_241, %dma_start3A_242] : memref<100000x128xf32, #tpu.memory_space<hbm>> -> memref<100000x128xf32, #tpu.memory_space<hbm>>
      tpu.enqueue_indirect_dma source(%dma_start3A_243 : memref<100000x128xf32, #tpu.memory_space<hbm>>) target(%arg6 : memref<128x128xf32, #tpu.memory_space<vmem>>) offsets(%dma_start3A_240 : memref<128xi32, #tpu.memory_space<vmem>>) semaphore(%arg7 : memref<!tpu.dma_semaphore, #tpu.memory_space<semaphore_mem>>) {add = true}
      %add3A_244 = arith.constant 3 : i32
      %add3A_245 = arith.addi %add3A_219, %add3A_244 : i32
      %dma_start3A_246 = arith.constant 0 : i32
      %dma_start3A_247 = tpu.memref_slice %arg5[%add3A_245, %dma_start3A_246] : memref<200x128xi32, #tpu.memory_space<vmem>> -> memref<1x128xi32, #tpu.memory_space<vmem>>
      %dma_start3A_248 = tpu.memref_squeeze %dma_start3A_247 : memref<1x128xi32, #tpu.memory_space<vmem>> -> memref<128xi32, #tpu.memory_space<vmem>>
      %dma_start3A_249 = arith.constant 0 : i32
      %dma_start3A_250 = arith.constant 0 : i32
      %dma_start3A_251 = tpu.memref_slice %arg3[%dma_start3A_249, %dma_start3A_250] : memref<100000x128xf32, #tpu.memory_space<hbm>> -> memref<100000x128xf32, #tpu.memory_space<hbm>>
      tpu.enqueue_indirect_dma source(%dma_start3A_251 : memref<100000x128xf32, #tpu.memory_space<hbm>>) target(%arg6 : memref<128x128xf32, #tpu.memory_space<vmem>>) offsets(%dma_start3A_248 : memref<128xi32, #tpu.memory_space<vmem>>) semaphore(%arg7 : memref<!tpu.dma_semaphore, #tpu.memory_space<semaphore_mem>>) {add = true}
      %add3A_252 = arith.constant 4 : i32
      %add3A_253 = arith.addi %add3A_219, %add3A_252 : i32
      %dma_start3A_254 = arith.constant 0 : i32
      %dma_start3A_255 = tpu.memref_slice %arg5[%add3A_253, %dma_start3A_254] : memref<200x128xi32, #tpu.memory_space<vmem>> -> memref<1x128xi32, #tpu.memory_space<vmem>>
      %dma_start3A_256 = tpu.memref_squeeze %dma_start3A_255 : memref<1x128xi32, #tpu.memory_space<vmem>> -> memref<128xi32, #tpu.memory_space<vmem>>
      %dma_start3A_257 = arith.constant 0 : i32
      %dma_start3A_258 = arith.constant 0 : i32
      %dma_start3A_259 = tpu.memref_slice %arg3[%dma_start3A_257, %dma_start3A_258] : memref<100000x128xf32, #tpu.memory_space<hbm>> -> memref<100000x128xf32, #tpu.memory_space<hbm>>
      tpu.enqueue_indirect_dma source(%dma_start3A_259 : memref<100000x128xf32, #tpu.memory_space<hbm>>) target(%arg6 : memref<128x128xf32, #tpu.memory_space<vmem>>) offsets(%dma_start3A_256 : memref<128xi32, #tpu.memory_space<vmem>>) semaphore(%arg7 : memref<!tpu.dma_semaphore, #tpu.memory_space<semaphore_mem>>) {add = true}
      %add3A_260 = arith.constant 5 : i32
      %add3A_261 = arith.addi %add3A_219, %add3A_260 : i32
      %dma_start3A_262 = arith.constant 0 : i32
      %dma_start3A_263 = tpu.memref_slice %arg5[%add3A_261, %dma_start3A_262] : memref<200x128xi32, #tpu.memory_space<vmem>> -> memref<1x128xi32, #tpu.memory_space<vmem>>
      %dma_start3A_264 = tpu.memref_squeeze %dma_start3A_263 : memref<1x128xi32, #tpu.memory_space<vmem>> -> memref<128xi32, #tpu.memory_space<vmem>>
      %dma_start3A_265 = arith.constant 0 : i32
      %dma_start3A_266 = arith.constant 0 : i32
      %dma_start3A_267 = tpu.memref_slice %arg3[%dma_start3A_265, %dma_start3A_266] : memref<100000x128xf32, #tpu.memory_space<hbm>> -> memref<100000x128xf32, #tpu.memory_space<hbm>>
      tpu.enqueue_indirect_dma source(%dma_start3A_267 : memref<100000x128xf32, #tpu.memory_space<hbm>>) target(%arg6 : memref<128x128xf32, #tpu.memory_space<vmem>>) offsets(%dma_start3A_264 : memref<128xi32, #tpu.memory_space<vmem>>) semaphore(%arg7 : memref<!tpu.dma_semaphore, #tpu.memory_space<semaphore_mem>>) {add = true}
      %add3A_268 = arith.constant 6 : i32
      %add3A_269 = arith.addi %add3A_219, %add3A_268 : i32
      %dma_start3A_270 = arith.constant 0 : i32
      %dma_start3A_271 = tpu.memref_slice %arg5[%add3A_269, %dma_start3A_270] : memref<200x128xi32, #tpu.memory_space<vmem>> -> memref<1x128xi32, #tpu.memory_space<vmem>>
      %dma_start3A_272 = tpu.memref_squeeze %dma_start3A_271 : memref<1x128xi32, #tpu.memory_space<vmem>> -> memref<128xi32, #tpu.memory_space<vmem>>
      %dma_start3A_273 = arith.constant 0 : i32
      %dma_start3A_274 = arith.constant 0 : i32
      %dma_start3A_275 = tpu.memref_slice %arg3[%dma_start3A_273, %dma_start3A_274] : memref<100000x128xf32, #tpu.memory_space<hbm>> -> memref<100000x128xf32, #tpu.memory_space<hbm>>
      tpu.enqueue_indirect_dma source(%dma_start3A_275 : memref<100000x128xf32, #tpu.memory_space<hbm>>) target(%arg6 : memref<128x128xf32, #tpu.memory_space<vmem>>) offsets(%dma_start3A_272 : memref<128xi32, #tpu.memory_space<vmem>>) semaphore(%arg7 : memref<!tpu.dma_semaphore, #tpu.memory_space<semaphore_mem>>) {add = true}
      %add3A_276 = arith.constant 7 : i32
      %add3A_277 = arith.addi %add3A_219, %add3A_276 : i32
      %dma_start3A_278 = arith.constant 0 : i32
      %dma_start3A_279 = tpu.memref_slice %arg5[%add3A_277, %dma_start3A_278] : memref<200x128xi32, #tpu.memory_space<vmem>> -> memref<1x128xi32, #tpu.memory_space<vmem>>
      %dma_start3A_280 = tpu.memref_squeeze %dma_start3A_279 : memref<1x128xi32, #tpu.memory_space<vmem>> -> memref<128xi32, #tpu.memory_space<vmem>>
      %dma_start3A_281 = arith.constant 0 : i32
      %dma_start3A_282 = arith.constant 0 : i32
      %dma_start3A_283 = tpu.memref_slice %arg3[%dma_start3A_281, %dma_start3A_282] : memref<100000x128xf32, #tpu.memory_space<hbm>> -> memref<100000x128xf32, #tpu.memory_space<hbm>>
      tpu.enqueue_indirect_dma source(%dma_start3A_283 : memref<100000x128xf32, #tpu.memory_space<hbm>>) target(%arg6 : memref<128x128xf32, #tpu.memory_space<vmem>>) offsets(%dma_start3A_280 : memref<128xi32, #tpu.memory_space<vmem>>) semaphore(%arg7 : memref<!tpu.dma_semaphore, #tpu.memory_space<semaphore_mem>>) {add = true}
      %dma_wait3A_284 = arith.constant 0 : i32
      %dma_wait3A_285 = arith.constant 0 : i32
      %dma_wait3A_286 = tpu.memref_slice %arg3[%dma_wait3A_284, %dma_wait3A_285] : memref<100000x128xf32, #tpu.memory_space<hbm>> -> memref<128x128xf32, #tpu.memory_space<hbm>>
      %dma_wait3A_287 = arith.constant 0 : i32
      %dma_wait3A_288 = arith.constant 0 : i32
      %dma_wait3A_289 = tpu.memref_slice %arg3[%dma_wait3A_287, %dma_wait3A_288] : memref<100000x128xf32, #tpu.memory_space<hbm>> -> memref<128x128xf32, #tpu.memory_space<hbm>>
      tpu.wait_dma2 semaphore(%arg7 : memref<!tpu.dma_semaphore, #tpu.memory_space<semaphore_mem>>) src(%dma_wait3A_289 : memref<128x128xf32, #tpu.memory_space<hbm>>) dst(%arg6 : memref<128x128xf32, #tpu.memory_space<vmem>>)
      %dma_wait3A_290 = arith.constant 0 : i32
      %dma_wait3A_291 = arith.constant 0 : i32
      %dma_wait3A_292 = tpu.memref_slice %arg3[%dma_wait3A_290, %dma_wait3A_291] : memref<100000x128xf32, #tpu.memory_space<hbm>> -> memref<128x128xf32, #tpu.memory_space<hbm>>
      %dma_wait3A_293 = arith.constant 0 : i32
      %dma_wait3A_294 = arith.constant 0 : i32
      %dma_wait3A_295 = tpu.memref_slice %arg3[%dma_wait3A_293, %dma_wait3A_294] : memref<100000x128xf32, #tpu.memory_space<hbm>> -> memref<128x128xf32, #tpu.memory_space<hbm>>
      tpu.wait_dma2 semaphore(%arg7 : memref<!tpu.dma_semaphore, #tpu.memory_space<semaphore_mem>>) src(%dma_wait3A_295 : memref<128x128xf32, #tpu.memory_space<hbm>>) dst(%arg6 : memref<128x128xf32, #tpu.memory_space<vmem>>)
      %dma_wait3A_296 = arith.constant 0 : i32
      %dma_wait3A_297 = arith.constant 0 : i32
      %dma_wait3A_298 = tpu.memref_slice %arg3[%dma_wait3A_296, %dma_wait3A_297] : memref<100000x128xf32, #tpu.memory_space<hbm>> -> memref<128x128xf32, #tpu.memory_space<hbm>>
      %dma_wait3A_299 = arith.constant 0 : i32
      %dma_wait3A_300 = arith.constant 0 : i32
      %dma_wait3A_301 = tpu.memref_slice %arg3[%dma_wait3A_299, %dma_wait3A_300] : memref<100000x128xf32, #tpu.memory_space<hbm>> -> memref<128x128xf32, #tpu.memory_space<hbm>>
      tpu.wait_dma2 semaphore(%arg7 : memref<!tpu.dma_semaphore, #tpu.memory_space<semaphore_mem>>) src(%dma_wait3A_301 : memref<128x128xf32, #tpu.memory_space<hbm>>) dst(%arg6 : memref<128x128xf32, #tpu.memory_space<vmem>>)
      %dma_wait3A_302 = arith.constant 0 : i32
      %dma_wait3A_303 = arith.constant 0 : i32
      %dma_wait3A_304 = tpu.memref_slice %arg3[%dma_wait3A_302, %dma_wait3A_303] : memref<100000x128xf32, #tpu.memory_space<hbm>> -> memref<128x128xf32, #tpu.memory_space<hbm>>
      %dma_wait3A_305 = arith.constant 0 : i32
      %dma_wait3A_306 = arith.constant 0 : i32
      %dma_wait3A_307 = tpu.memref_slice %arg3[%dma_wait3A_305, %dma_wait3A_306] : memref<100000x128xf32, #tpu.memory_space<hbm>> -> memref<128x128xf32, #tpu.memory_space<hbm>>
      tpu.wait_dma2 semaphore(%arg7 : memref<!tpu.dma_semaphore, #tpu.memory_space<semaphore_mem>>) src(%dma_wait3A_307 : memref<128x128xf32, #tpu.memory_space<hbm>>) dst(%arg6 : memref<128x128xf32, #tpu.memory_space<vmem>>)
      %dma_wait3A_308 = arith.constant 0 : i32
      %dma_wait3A_309 = arith.constant 0 : i32
      %dma_wait3A_310 = tpu.memref_slice %arg3[%dma_wait3A_308, %dma_wait3A_309] : memref<100000x128xf32, #tpu.memory_space<hbm>> -> memref<128x128xf32, #tpu.memory_space<hbm>>
      %dma_wait3A_311 = arith.constant 0 : i32
      %dma_wait3A_312 = arith.constant 0 : i32
      %dma_wait3A_313 = tpu.memref_slice %arg3[%dma_wait3A_311, %dma_wait3A_312] : memref<100000x128xf32, #tpu.memory_space<hbm>> -> memref<128x128xf32, #tpu.memory_space<hbm>>
      tpu.wait_dma2 semaphore(%arg7 : memref<!tpu.dma_semaphore, #tpu.memory_space<semaphore_mem>>) src(%dma_wait3A_313 : memref<128x128xf32, #tpu.memory_space<hbm>>) dst(%arg6 : memref<128x128xf32, #tpu.memory_space<vmem>>)
      %dma_wait3A_314 = arith.constant 0 : i32
      %dma_wait3A_315 = arith.constant 0 : i32
      %dma_wait3A_316 = tpu.memref_slice %arg3[%dma_wait3A_314, %dma_wait3A_315] : memref<100000x128xf32, #tpu.memory_space<hbm>> -> memref<128x128xf32, #tpu.memory_space<hbm>>
      %dma_wait3A_317 = arith.constant 0 : i32
      %dma_wait3A_318 = arith.constant 0 : i32
      %dma_wait3A_319 = tpu.memref_slice %arg3[%dma_wait3A_317, %dma_wait3A_318] : memref<100000x128xf32, #tpu.memory_space<hbm>> -> memref<128x128xf32, #tpu.memory_space<hbm>>
      tpu.wait_dma2 semaphore(%arg7 : memref<!tpu.dma_semaphore, #tpu.memory_space<semaphore_mem>>) src(%dma_wait3A_319 : memref<128x128xf32, #tpu.memory_space<hbm>>) dst(%arg6 : memref<128x128xf32, #tpu.memory_space<vmem>>)
      %dma_wait3A_320 = arith.constant 0 : i32
      %dma_wait3A_321 = arith.constant 0 : i32
      %dma_wait3A_322 = tpu.memref_slice %arg3[%dma_wait3A_320, %dma_wait3A_321] : memref<100000x128xf32, #tpu.memory_space<hbm>> -> memref<128x128xf32, #tpu.memory_space<hbm>>
      %dma_wait3A_323 = arith.constant 0 : i32
      %dma_wait3A_324 = arith.constant 0 : i32
      %dma_wait3A_325 = tpu.memref_slice %arg3[%dma_wait3A_323, %dma_wait3A_324] : memref<100000x128xf32, #tpu.memory_space<hbm>> -> memref<128x128xf32, #tpu.memory_space<hbm>>
      tpu.wait_dma2 semaphore(%arg7 : memref<!tpu.dma_semaphore, #tpu.memory_space<semaphore_mem>>) src(%dma_wait3A_325 : memref<128x128xf32, #tpu.memory_space<hbm>>) dst(%arg6 : memref<128x128xf32, #tpu.memory_space<vmem>>)
      %dma_wait3A_326 = arith.constant 0 : i32
      %dma_wait3A_327 = arith.constant 0 : i32
      %dma_wait3A_328 = tpu.memref_slice %arg3[%dma_wait3A_326, %dma_wait3A_327] : memref<100000x128xf32, #tpu.memory_space<hbm>> -> memref<128x128xf32, #tpu.memory_space<hbm>>
      %dma_wait3A_329 = arith.constant 0 : i32
      %dma_wait3A_330 = arith.constant 0 : i32
      %dma_wait3A_331 = tpu.memref_slice %arg3[%dma_wait3A_329, %dma_wait3A_330] : memref<100000x128xf32, #tpu.memory_space<hbm>> -> memref<128x128xf32, #tpu.memory_space<hbm>>
      tpu.wait_dma2 semaphore(%arg7 : memref<!tpu.dma_semaphore, #tpu.memory_space<semaphore_mem>>) src(%dma_wait3A_331 : memref<128x128xf32, #tpu.memory_space<hbm>>) dst(%arg6 : memref<128x128xf32, #tpu.memory_space<vmem>>)
    }
    %scan3A_73 = arith.constant 23 : i32
    %dma_start3A_74 = arith.constant 193 : i32
    %dma_start3A_75 = arith.constant 0 : i32
    %dma_start3A_76 = tpu.memref_slice %arg5[%dma_start3A_74, %dma_start3A_75] : memref<200x128xi32, #tpu.memory_space<vmem>> -> memref<1x128xi32, #tpu.memory_space<vmem>>
    %dma_start3A_77 = tpu.memref_squeeze %dma_start3A_76 : memref<1x128xi32, #tpu.memory_space<vmem>> -> memref<128xi32, #tpu.memory_space<vmem>>
    %dma_start3A_78 = arith.constant 0 : i32
    %dma_start3A_79 = arith.constant 0 : i32
    %dma_start3A_80 = tpu.memref_slice %arg3[%dma_start3A_78, %dma_start3A_79] : memref<100000x128xf32, #tpu.memory_space<hbm>> -> memref<100000x128xf32, #tpu.memory_space<hbm>>
    tpu.enqueue_indirect_dma source(%dma_start3A_80 : memref<100000x128xf32, #tpu.memory_space<hbm>>) target(%arg6 : memref<128x128xf32, #tpu.memory_space<vmem>>) offsets(%dma_start3A_77 : memref<128xi32, #tpu.memory_space<vmem>>) semaphore(%arg7 : memref<!tpu.dma_semaphore, #tpu.memory_space<semaphore_mem>>) {add = true}
    %dma_start3A_81 = arith.constant 194 : i32
    %dma_start3A_82 = arith.constant 0 : i32
    %dma_start3A_83 = tpu.memref_slice %arg5[%dma_start3A_81, %dma_start3A_82] : memref<200x128xi32, #tpu.memory_space<vmem>> -> memref<1x128xi32, #tpu.memory_space<vmem>>
    %dma_start3A_84 = tpu.memref_squeeze %dma_start3A_83 : memref<1x128xi32, #tpu.memory_space<vmem>> -> memref<128xi32, #tpu.memory_space<vmem>>
    %dma_start3A_85 = arith.constant 0 : i32
    %dma_start3A_86 = arith.constant 0 : i32
    %dma_start3A_87 = tpu.memref_slice %arg3[%dma_start3A_85, %dma_start3A_86] : memref<100000x128xf32, #tpu.memory_space<hbm>> -> memref<100000x128xf32, #tpu.memory_space<hbm>>
    tpu.enqueue_indirect_dma source(%dma_start3A_87 : memref<100000x128xf32, #tpu.memory_space<hbm>>) target(%arg6 : memref<128x128xf32, #tpu.memory_space<vmem>>) offsets(%dma_start3A_84 : memref<128xi32, #tpu.memory_space<vmem>>) semaphore(%arg7 : memref<!tpu.dma_semaphore, #tpu.memory_space<semaphore_mem>>) {add = true}
    %dma_start3A_88 = arith.constant 195 : i32
    %dma_start3A_89 = arith.constant 0 : i32
    %dma_start3A_90 = tpu.memref_slice %arg5[%dma_start3A_88, %dma_start3A_89] : memref<200x128xi32, #tpu.memory_space<vmem>> -> memref<1x128xi32, #tpu.memory_space<vmem>>
    %dma_start3A_91 = tpu.memref_squeeze %dma_start3A_90 : memref<1x128xi32, #tpu.memory_space<vmem>> -> memref<128xi32, #tpu.memory_space<vmem>>
    %dma_start3A_92 = arith.constant 0 : i32
    %dma_start3A_93 = arith.constant 0 : i32
    %dma_start3A_94 = tpu.memref_slice %arg3[%dma_start3A_92, %dma_start3A_93] : memref<100000x128xf32, #tpu.memory_space<hbm>> -> memref<100000x128xf32, #tpu.memory_space<hbm>>
    tpu.enqueue_indirect_dma source(%dma_start3A_94 : memref<100000x128xf32, #tpu.memory_space<hbm>>) target(%arg6 : memref<128x128xf32, #tpu.memory_space<vmem>>) offsets(%dma_start3A_91 : memref<128xi32, #tpu.memory_space<vmem>>) semaphore(%arg7 : memref<!tpu.dma_semaphore, #tpu.memory_space<semaphore_mem>>) {add = true}
    %dma_start3A_95 = arith.constant 196 : i32
    %dma_start3A_96 = arith.constant 0 : i32
    %dma_start3A_97 = tpu.memref_slice %arg5[%dma_start3A_95, %dma_start3A_96] : memref<200x128xi32, #tpu.memory_space<vmem>> -> memref<1x128xi32, #tpu.memory_space<vmem>>
    %dma_start3A_98 = tpu.memref_squeeze %dma_start3A_97 : memref<1x128xi32, #tpu.memory_space<vmem>> -> memref<128xi32, #tpu.memory_space<vmem>>
    %dma_start3A_99 = arith.constant 0 : i32
    %dma_start3A_100 = arith.constant 0 : i32
    %dma_start3A_101 = tpu.memref_slice %arg3[%dma_start3A_99, %dma_start3A_100] : memref<100000x128xf32, #tpu.memory_space<hbm>> -> memref<100000x128xf32, #tpu.memory_space<hbm>>
    tpu.enqueue_indirect_dma source(%dma_start3A_101 : memref<100000x128xf32, #tpu.memory_space<hbm>>) target(%arg6 : memref<128x128xf32, #tpu.memory_space<vmem>>) offsets(%dma_start3A_98 : memref<128xi32, #tpu.memory_space<vmem>>) semaphore(%arg7 : memref<!tpu.dma_semaphore, #tpu.memory_space<semaphore_mem>>) {add = true}
    %dma_start3A_102 = arith.constant 197 : i32
    %dma_start3A_103 = arith.constant 0 : i32
    %dma_start3A_104 = tpu.memref_slice %arg5[%dma_start3A_102, %dma_start3A_103] : memref<200x128xi32, #tpu.memory_space<vmem>> -> memref<1x128xi32, #tpu.memory_space<vmem>>
    %dma_start3A_105 = tpu.memref_squeeze %dma_start3A_104 : memref<1x128xi32, #tpu.memory_space<vmem>> -> memref<128xi32, #tpu.memory_space<vmem>>
    %dma_start3A_106 = arith.constant 0 : i32
    %dma_start3A_107 = arith.constant 0 : i32
    %dma_start3A_108 = tpu.memref_slice %arg3[%dma_start3A_106, %dma_start3A_107] : memref<100000x128xf32, #tpu.memory_space<hbm>> -> memref<100000x128xf32, #tpu.memory_space<hbm>>
    tpu.enqueue_indirect_dma source(%dma_start3A_108 : memref<100000x128xf32, #tpu.memory_space<hbm>>) target(%arg6 : memref<128x128xf32, #tpu.memory_space<vmem>>) offsets(%dma_start3A_105 : memref<128xi32, #tpu.memory_space<vmem>>) semaphore(%arg7 : memref<!tpu.dma_semaphore, #tpu.memory_space<semaphore_mem>>) {add = true}
    %dma_start3A_109 = arith.constant 198 : i32
    %dma_start3A_110 = arith.constant 0 : i32
    %dma_start3A_111 = tpu.memref_slice %arg5[%dma_start3A_109, %dma_start3A_110] : memref<200x128xi32, #tpu.memory_space<vmem>> -> memref<1x128xi32, #tpu.memory_space<vmem>>
    %dma_start3A_112 = tpu.memref_squeeze %dma_start3A_111 : memref<1x128xi32, #tpu.memory_space<vmem>> -> memref<128xi32, #tpu.memory_space<vmem>>
    %dma_start3A_113 = arith.constant 0 : i32
    %dma_start3A_114 = arith.constant 0 : i32
    %dma_start3A_115 = tpu.memref_slice %arg3[%dma_start3A_113, %dma_start3A_114] : memref<100000x128xf32, #tpu.memory_space<hbm>> -> memref<100000x128xf32, #tpu.memory_space<hbm>>
    tpu.enqueue_indirect_dma source(%dma_start3A_115 : memref<100000x128xf32, #tpu.memory_space<hbm>>) target(%arg6 : memref<128x128xf32, #tpu.memory_space<vmem>>) offsets(%dma_start3A_112 : memref<128xi32, #tpu.memory_space<vmem>>) semaphore(%arg7 : memref<!tpu.dma_semaphore, #tpu.memory_space<semaphore_mem>>) {add = true}
    %dma_start3A_116 = arith.constant 199 : i32
    %dma_start3A_117 = arith.constant 0 : i32
    %dma_start3A_118 = tpu.memref_slice %arg5[%dma_start3A_116, %dma_start3A_117] : memref<200x128xi32, #tpu.memory_space<vmem>> -> memref<1x128xi32, #tpu.memory_space<vmem>>
    %dma_start3A_119 = tpu.memref_squeeze %dma_start3A_118 : memref<1x128xi32, #tpu.memory_space<vmem>> -> memref<128xi32, #tpu.memory_space<vmem>>
    %dma_start3A_120 = arith.constant 0 : i32
    %dma_start3A_121 = arith.constant 0 : i32
    %dma_start3A_122 = tpu.memref_slice %arg3[%dma_start3A_120, %dma_start3A_121] : memref<100000x128xf32, #tpu.memory_space<hbm>> -> memref<100000x128xf32, #tpu.memory_space<hbm>>
    tpu.enqueue_indirect_dma source(%dma_start3A_122 : memref<100000x128xf32, #tpu.memory_space<hbm>>) target(%arg6 : memref<128x128xf32, #tpu.memory_space<vmem>>) offsets(%dma_start3A_119 : memref<128xi32, #tpu.memory_space<vmem>>) semaphore(%arg7 : memref<!tpu.dma_semaphore, #tpu.memory_space<semaphore_mem>>) {add = true}
    %dma_wait3A_123 = arith.constant 0 : i32
    %dma_wait3A_124 = arith.constant 0 : i32
    %dma_wait3A_125 = tpu.memref_slice %arg3[%dma_wait3A_123, %dma_wait3A_124] : memref<100000x128xf32, #tpu.memory_space<hbm>> -> memref<128x128xf32, #tpu.memory_space<hbm>>
    %dma_wait3A_126 = arith.constant 0 : i32
    %dma_wait3A_127 = arith.constant 0 : i32
    %dma_wait3A_128 = tpu.memref_slice %arg3[%dma_wait3A_126, %dma_wait3A_127] : memref<100000x128xf32, #tpu.memory_space<hbm>> -> memref<128x128xf32, #tpu.memory_space<hbm>>
    tpu.wait_dma2 semaphore(%arg7 : memref<!tpu.dma_semaphore, #tpu.memory_space<semaphore_mem>>) src(%dma_wait3A_128 : memref<128x128xf32, #tpu.memory_space<hbm>>) dst(%arg6 : memref<128x128xf32, #tpu.memory_space<vmem>>)
    %dma_wait3A_129 = arith.constant 0 : i32
    %dma_wait3A_130 = arith.constant 0 : i32
    %dma_wait3A_131 = tpu.memref_slice %arg3[%dma_wait3A_129, %dma_wait3A_130] : memref<100000x128xf32, #tpu.memory_space<hbm>> -> memref<128x128xf32, #tpu.memory_space<hbm>>
    %dma_wait3A_132 = arith.constant 0 : i32
    %dma_wait3A_133 = arith.constant 0 : i32
    %dma_wait3A_134 = tpu.memref_slice %arg3[%dma_wait3A_132, %dma_wait3A_133] : memref<100000x128xf32, #tpu.memory_space<hbm>> -> memref<128x128xf32, #tpu.memory_space<hbm>>
    tpu.wait_dma2 semaphore(%arg7 : memref<!tpu.dma_semaphore, #tpu.memory_space<semaphore_mem>>) src(%dma_wait3A_134 : memref<128x128xf32, #tpu.memory_space<hbm>>) dst(%arg6 : memref<128x128xf32, #tpu.memory_space<vmem>>)
    %dma_wait3A_135 = arith.constant 0 : i32
    %dma_wait3A_136 = arith.constant 0 : i32
    %dma_wait3A_137 = tpu.memref_slice %arg3[%dma_wait3A_135, %dma_wait3A_136] : memref<100000x128xf32, #tpu.memory_space<hbm>> -> memref<128x128xf32, #tpu.memory_space<hbm>>
    %dma_wait3A_138 = arith.constant 0 : i32
    %dma_wait3A_139 = arith.constant 0 : i32
    %dma_wait3A_140 = tpu.memref_slice %arg3[%dma_wait3A_138, %dma_wait3A_139] : memref<100000x128xf32, #tpu.memory_space<hbm>> -> memref<128x128xf32, #tpu.memory_space<hbm>>
    tpu.wait_dma2 semaphore(%arg7 : memref<!tpu.dma_semaphore, #tpu.memory_space<semaphore_mem>>) src(%dma_wait3A_140 : memref<128x128xf32, #tpu.memory_space<hbm>>) dst(%arg6 : memref<128x128xf32, #tpu.memory_space<vmem>>)
    %dma_wait3A_141 = arith.constant 0 : i32
    %dma_wait3A_142 = arith.constant 0 : i32
    %dma_wait3A_143 = tpu.memref_slice %arg3[%dma_wait3A_141, %dma_wait3A_142] : memref<100000x128xf32, #tpu.memory_space<hbm>> -> memref<128x128xf32, #tpu.memory_space<hbm>>
    %dma_wait3A_144 = arith.constant 0 : i32
    %dma_wait3A_145 = arith.constant 0 : i32
    %dma_wait3A_146 = tpu.memref_slice %arg3[%dma_wait3A_144, %dma_wait3A_145] : memref<100000x128xf32, #tpu.memory_space<hbm>> -> memref<128x128xf32, #tpu.memory_space<hbm>>
    tpu.wait_dma2 semaphore(%arg7 : memref<!tpu.dma_semaphore, #tpu.memory_space<semaphore_mem>>) src(%dma_wait3A_146 : memref<128x128xf32, #tpu.memory_space<hbm>>) dst(%arg6 : memref<128x128xf32, #tpu.memory_space<vmem>>)
    %dma_wait3A_147 = arith.constant 0 : i32
    %dma_wait3A_148 = arith.constant 0 : i32
    %dma_wait3A_149 = tpu.memref_slice %arg3[%dma_wait3A_147, %dma_wait3A_148] : memref<100000x128xf32, #tpu.memory_space<hbm>> -> memref<128x128xf32, #tpu.memory_space<hbm>>
    %dma_wait3A_150 = arith.constant 0 : i32
    %dma_wait3A_151 = arith.constant 0 : i32
    %dma_wait3A_152 = tpu.memref_slice %arg3[%dma_wait3A_150, %dma_wait3A_151] : memref<100000x128xf32, #tpu.memory_space<hbm>> -> memref<128x128xf32, #tpu.memory_space<hbm>>
    tpu.wait_dma2 semaphore(%arg7 : memref<!tpu.dma_semaphore, #tpu.memory_space<semaphore_mem>>) src(%dma_wait3A_152 : memref<128x128xf32, #tpu.memory_space<hbm>>) dst(%arg6 : memref<128x128xf32, #tpu.memory_space<vmem>>)
    %dma_wait3A_153 = arith.constant 0 : i32
    %dma_wait3A_154 = arith.constant 0 : i32
    %dma_wait3A_155 = tpu.memref_slice %arg3[%dma_wait3A_153, %dma_wait3A_154] : memref<100000x128xf32, #tpu.memory_space<hbm>> -> memref<128x128xf32, #tpu.memory_space<hbm>>
    %dma_wait3A_156 = arith.constant 0 : i32
    %dma_wait3A_157 = arith.constant 0 : i32
    %dma_wait3A_158 = tpu.memref_slice %arg3[%dma_wait3A_156, %dma_wait3A_157] : memref<100000x128xf32, #tpu.memory_space<hbm>> -> memref<128x128xf32, #tpu.memory_space<hbm>>
    tpu.wait_dma2 semaphore(%arg7 : memref<!tpu.dma_semaphore, #tpu.memory_space<semaphore_mem>>) src(%dma_wait3A_158 : memref<128x128xf32, #tpu.memory_space<hbm>>) dst(%arg6 : memref<128x128xf32, #tpu.memory_space<vmem>>)
    %dma_wait3A_159 = arith.constant 0 : i32
    %dma_wait3A_160 = arith.constant 0 : i32
    %dma_wait3A_161 = tpu.memref_slice %arg3[%dma_wait3A_159, %dma_wait3A_160] : memref<100000x128xf32, #tpu.memory_space<hbm>> -> memref<128x128xf32, #tpu.memory_space<hbm>>
    %dma_wait3A_162 = arith.constant 0 : i32
    %dma_wait3A_163 = arith.constant 0 : i32
    %dma_wait3A_164 = tpu.memref_slice %arg3[%dma_wait3A_162, %dma_wait3A_163] : memref<100000x128xf32, #tpu.memory_space<hbm>> -> memref<128x128xf32, #tpu.memory_space<hbm>>
    tpu.wait_dma2 semaphore(%arg7 : memref<!tpu.dma_semaphore, #tpu.memory_space<semaphore_mem>>) src(%dma_wait3A_164 : memref<128x128xf32, #tpu.memory_space<hbm>>) dst(%arg6 : memref<128x128xf32, #tpu.memory_space<vmem>>)
    %dma_wait3A_165 = arith.constant 0 : i32
    %dma_wait3A_166 = arith.constant 0 : i32
    %dma_wait3A_167 = tpu.memref_slice %arg3[%dma_wait3A_165, %dma_wait3A_166] : memref<100000x128xf32, #tpu.memory_space<hbm>> -> memref<128x128xf32, #tpu.memory_space<hbm>>
    %dma_wait3A_168 = arith.constant 0 : i32
    %dma_wait3A_169 = arith.constant 0 : i32
    %dma_wait3A_170 = tpu.memref_slice %arg3[%dma_wait3A_168, %dma_wait3A_169] : memref<100000x128xf32, #tpu.memory_space<hbm>> -> memref<128x128xf32, #tpu.memory_space<hbm>>
    tpu.wait_dma2 semaphore(%arg7 : memref<!tpu.dma_semaphore, #tpu.memory_space<semaphore_mem>>) src(%dma_wait3A_170 : memref<128x128xf32, #tpu.memory_space<hbm>>) dst(%arg6 : memref<128x128xf32, #tpu.memory_space<vmem>>)
    %dma_wait3A_171 = arith.constant 0 : i32
    %dma_wait3A_172 = arith.constant 0 : i32
    %dma_wait3A_173 = tpu.memref_slice %arg3[%dma_wait3A_171, %dma_wait3A_172] : memref<100000x128xf32, #tpu.memory_space<hbm>> -> memref<128x128xf32, #tpu.memory_space<hbm>>
    %dma_wait3A_174 = arith.constant 0 : i32
    %dma_wait3A_175 = arith.constant 0 : i32
    %dma_wait3A_176 = tpu.memref_slice %arg3[%dma_wait3A_174, %dma_wait3A_175] : memref<100000x128xf32, #tpu.memory_space<hbm>> -> memref<128x128xf32, #tpu.memory_space<hbm>>
    tpu.wait_dma2 semaphore(%arg7 : memref<!tpu.dma_semaphore, #tpu.memory_space<semaphore_mem>>) src(%dma_wait3A_176 : memref<128x128xf32, #tpu.memory_space<hbm>>) dst(%arg6 : memref<128x128xf32, #tpu.memory_space<vmem>>)
    %dma_wait3A_177 = arith.constant 0 : i32
    %dma_wait3A_178 = arith.constant 0 : i32
    %dma_wait3A_179 = tpu.memref_slice %arg3[%dma_wait3A_177, %dma_wait3A_178] : memref<100000x128xf32, #tpu.memory_space<hbm>> -> memref<128x128xf32, #tpu.memory_space<hbm>>
    %dma_wait3A_180 = arith.constant 0 : i32
    %dma_wait3A_181 = arith.constant 0 : i32
    %dma_wait3A_182 = tpu.memref_slice %arg3[%dma_wait3A_180, %dma_wait3A_181] : memref<100000x128xf32, #tpu.memory_space<hbm>> -> memref<128x128xf32, #tpu.memory_space<hbm>>
    tpu.wait_dma2 semaphore(%arg7 : memref<!tpu.dma_semaphore, #tpu.memory_space<semaphore_mem>>) src(%dma_wait3A_182 : memref<128x128xf32, #tpu.memory_space<hbm>>) dst(%arg6 : memref<128x128xf32, #tpu.memory_space<vmem>>)
    %dma_wait3A_183 = arith.constant 0 : i32
    %dma_wait3A_184 = arith.constant 0 : i32
    %dma_wait3A_185 = tpu.memref_slice %arg3[%dma_wait3A_183, %dma_wait3A_184] : memref<100000x128xf32, #tpu.memory_space<hbm>> -> memref<128x128xf32, #tpu.memory_space<hbm>>
    %dma_wait3A_186 = arith.constant 0 : i32
    %dma_wait3A_187 = arith.constant 0 : i32
    %dma_wait3A_188 = tpu.memref_slice %arg3[%dma_wait3A_186, %dma_wait3A_187] : memref<100000x128xf32, #tpu.memory_space<hbm>> -> memref<128x128xf32, #tpu.memory_space<hbm>>
    tpu.wait_dma2 semaphore(%arg7 : memref<!tpu.dma_semaphore, #tpu.memory_space<semaphore_mem>>) src(%dma_wait3A_188 : memref<128x128xf32, #tpu.memory_space<hbm>>) dst(%arg6 : memref<128x128xf32, #tpu.memory_space<vmem>>)
    %dma_wait3A_189 = arith.constant 0 : i32
    %dma_wait3A_190 = arith.constant 0 : i32
    %dma_wait3A_191 = tpu.memref_slice %arg3[%dma_wait3A_189, %dma_wait3A_190] : memref<100000x128xf32, #tpu.memory_space<hbm>> -> memref<128x128xf32, #tpu.memory_space<hbm>>
    %dma_wait3A_192 = arith.constant 0 : i32
    %dma_wait3A_193 = arith.constant 0 : i32
    %dma_wait3A_194 = tpu.memref_slice %arg3[%dma_wait3A_192, %dma_wait3A_193] : memref<100000x128xf32, #tpu.memory_space<hbm>> -> memref<128x128xf32, #tpu.memory_space<hbm>>
    tpu.wait_dma2 semaphore(%arg7 : memref<!tpu.dma_semaphore, #tpu.memory_space<semaphore_mem>>) src(%dma_wait3A_194 : memref<128x128xf32, #tpu.memory_space<hbm>>) dst(%arg6 : memref<128x128xf32, #tpu.memory_space<vmem>>)
    %dma_wait3A_195 = arith.constant 0 : i32
    %dma_wait3A_196 = arith.constant 0 : i32
    %dma_wait3A_197 = tpu.memref_slice %arg3[%dma_wait3A_195, %dma_wait3A_196] : memref<100000x128xf32, #tpu.memory_space<hbm>> -> memref<128x128xf32, #tpu.memory_space<hbm>>
    %dma_wait3A_198 = arith.constant 0 : i32
    %dma_wait3A_199 = arith.constant 0 : i32
    %dma_wait3A_200 = tpu.memref_slice %arg3[%dma_wait3A_198, %dma_wait3A_199] : memref<100000x128xf32, #tpu.memory_space<hbm>> -> memref<128x128xf32, #tpu.memory_space<hbm>>
    tpu.wait_dma2 semaphore(%arg7 : memref<!tpu.dma_semaphore, #tpu.memory_space<semaphore_mem>>) src(%dma_wait3A_200 : memref<128x128xf32, #tpu.memory_space<hbm>>) dst(%arg6 : memref<128x128xf32, #tpu.memory_space<vmem>>)
    %dma_wait3A_201 = arith.constant 0 : i32
    %dma_wait3A_202 = arith.constant 0 : i32
    %dma_wait3A_203 = tpu.memref_slice %arg3[%dma_wait3A_201, %dma_wait3A_202] : memref<100000x128xf32, #tpu.memory_space<hbm>> -> memref<128x128xf32, #tpu.memory_space<hbm>>
    %dma_wait3A_204 = arith.constant 0 : i32
    %dma_wait3A_205 = arith.constant 0 : i32
    %dma_wait3A_206 = tpu.memref_slice %arg3[%dma_wait3A_204, %dma_wait3A_205] : memref<100000x128xf32, #tpu.memory_space<hbm>> -> memref<128x128xf32, #tpu.memory_space<hbm>>
    tpu.wait_dma2 semaphore(%arg7 : memref<!tpu.dma_semaphore, #tpu.memory_space<semaphore_mem>>) src(%dma_wait3A_206 : memref<128x128xf32, #tpu.memory_space<hbm>>) dst(%arg6 : memref<128x128xf32, #tpu.memory_space<vmem>>)
    %dma_wait3A_207 = arith.constant 0 : i32
    %dma_wait3A_208 = arith.constant 0 : i32
    %dma_wait3A_209 = tpu.memref_slice %arg3[%dma_wait3A_207, %dma_wait3A_208] : memref<100000x128xf32, #tpu.memory_space<hbm>> -> memref<128x128xf32, #tpu.memory_space<hbm>>
    %dma_wait3A_210 = arith.constant 0 : i32
    %dma_wait3A_211 = arith.constant 0 : i32
    %dma_wait3A_212 = tpu.memref_slice %arg3[%dma_wait3A_210, %dma_wait3A_211] : memref<100000x128xf32, #tpu.memory_space<hbm>> -> memref<128x128xf32, #tpu.memory_space<hbm>>
    tpu.wait_dma2 semaphore(%arg7 : memref<!tpu.dma_semaphore, #tpu.memory_space<semaphore_mem>>) src(%dma_wait3A_212 : memref<128x128xf32, #tpu.memory_space<hbm>>) dst(%arg6 : memref<128x128xf32, #tpu.memory_space<vmem>>)
    %mul3A_213 = arith.constant 128 : i32
    %mul3A_214 = arith.muli %add3A, %mul3A_213 : i32
    "tpu.region"() ({
      %run_scoped3A = tpu.sem_alloc : memref<!tpu.dma_semaphore, #tpu.memory_space<semaphore_mem>>
      %dma_start3A_215 = arith.constant 0 : i32
      %dma_start3A_216 = tpu.memref_slice %arg4[%mul3A_214, %dma_start3A_215] : memref<4096x128xf32, #tpu.memory_space<hbm>> -> memref<128x128xf32, #tpu.memory_space<hbm>>
      %dma_start3A_217 = arith.constant 0 : i32
      %dma_start3A_218 = tpu.memref_slice %arg4[%mul3A_214, %dma_start3A_217] : memref<4096x128xf32, #tpu.memory_space<hbm>> -> memref<128x128xf32, #tpu.memory_space<hbm>>
      tpu.enqueue_dma source(%arg6 : memref<128x128xf32, #tpu.memory_space<vmem>>) target(%dma_start3A_218 : memref<128x128xf32, #tpu.memory_space<hbm>>) target_semaphore(%run_scoped3A : memref<!tpu.dma_semaphore, #tpu.memory_space<semaphore_mem>>)
      %dma_wait3A_219 = arith.constant 0 : i32
      %dma_wait3A_220 = tpu.memref_slice %arg4[%mul3A_214, %dma_wait3A_219] : memref<4096x128xf32, #tpu.memory_space<hbm>> -> memref<128x128xf32, #tpu.memory_space<hbm>>
      %dma_wait3A_221 = arith.constant 0 : i32
      %dma_wait3A_222 = tpu.memref_slice %arg4[%mul3A_214, %dma_wait3A_221] : memref<4096x128xf32, #tpu.memory_space<hbm>> -> memref<128x128xf32, #tpu.memory_space<hbm>>
      tpu.wait_dma2 semaphore(%run_scoped3A : memref<!tpu.dma_semaphore, #tpu.memory_space<semaphore_mem>>) src(%arg6 : memref<128x128xf32, #tpu.memory_space<vmem>>) dst(%dma_wait3A_222 : memref<128x128xf32, #tpu.memory_space<hbm>>)
      tpu.yield
    }) : () -> ()
    return
  }
}

module attributes {stable_mosaic.version = 14 : i64} {
  func.func @mm(%arg0: i32, %arg1: memref<1024x128xf32, #tpu.memory_space<vmem>>, %arg2: memref<128x1000xf32, #tpu.memory_space<vmem>>, %arg3: memref<1x1000xf32, #tpu.memory_space<vmem>>, %arg4: memref<1024x1000xf32, #tpu.memory_space<vmem>>) attributes {dimension_semantics = [#tpu.dimension_semantics<arbitrary>], iteration_bounds = array<i64: 4>, scalar_prefetch = 0 : i64, scratch_operands = 0 : i64, tpu.core_type = #tpu.core_type<tc>, window_params = [{transform_indices = @transform_0, window_bounds = array<i64: 1024, 128>}, {pipeline_mode = #tpu.pipeline_mode<synchronous>, transform_indices = @transform_1, window_bounds = array<i64: 128, 1000>}, {pipeline_mode = #tpu.pipeline_mode<synchronous>, transform_indices = @transform_2, window_bounds = array<i64: 1, 1000>}, {transform_indices = @transform_3, window_bounds = array<i64: 1024, 1000>}]} {
    %get3A = arith.constant 0 : index
    %get3A_0 = arith.constant 0 : index
    %get3A_1 = vector.load %arg1[%get3A, %get3A_0] : memref<1024x128xf32, #tpu.memory_space<vmem>>, vector<1024x128xf32>
    %mul3A = arith.constant 5.000000e-03 : f32
    %mul3A_2 = vector.broadcast %mul3A : f32 to vector<1024x128xf32>
    %mul3A_3 = arith.mulf %get3A_1, %mul3A_2 : vector<1024x128xf32>
    %convert_element_type3A = arith.truncf %mul3A_3 : vector<1024x128xf32> to vector<1024x128xbf16>
    %get3A_4 = arith.constant 0 : index
    %get3A_5 = arith.constant 0 : index
    %get3A_6 = vector.load %arg2[%get3A_4, %get3A_5] : memref<128x1000xf32, #tpu.memory_space<vmem>>, vector<128x1000xf32>
    %convert_element_type3A_7 = arith.truncf %get3A_6 : vector<128x1000xf32> to vector<128x1000xbf16>
    %dot_general3A = arith.constant dense<0.000000e+00> : vector<1024x1000xf32>
    %dot_general3A_8 = tpu.matmul %convert_element_type3A, %convert_element_type3A_7, %dot_general3A {dimension_numbers = #tpu.dot_dimension_numbers<[1], [0], [0], [1], [0, 0, 1, 1], [], []>, transpose_lhs_hint = false} : vector<1024x128xbf16>, vector<128x1000xbf16>, vector<1024x1000xf32> -> vector<1024x1000xf32>
    %get3A_9 = arith.constant 0 : index
    %get3A_10 = arith.constant 0 : index
    %get3A_11 = vector.load %arg3[%get3A_9, %get3A_10] : memref<1x1000xf32, #tpu.memory_space<vmem>>, vector<1x1000xf32>
    %add3A = vector.broadcast %get3A_11 : vector<1x1000xf32> to vector<1024x1000xf32>
    %add3A_12 = arith.addf %dot_general3A_8, %add3A : vector<1024x1000xf32>
    %swap3A = arith.constant 0 : index
    %swap3A_13 = arith.constant 0 : index
    %swap3A_14 = vector.load %arg4[%swap3A, %swap3A_13] : memref<1024x1000xf32, #tpu.memory_space<vmem>>, vector<1024x1000xf32>
    tpu.vector_store %arg4[%swap3A, %swap3A_13], %add3A_12 {strides = array<i32>} : memref<1024x1000xf32, #tpu.memory_space<vmem>>, vector<1024x1000xf32>,
    return
  }
  func.func @transform_0(%arg0: i32) -> (i32, i32) {
    %c0_i32 = arith.constant 0 : i32
    %c0_i32_0 = arith.constant 0 : i32
    return %arg0, %c0_i32 : i32, i32
  }
  func.func @transform_1(%arg0: i32) -> (i32, i32) {
    %c0_i32 = arith.constant 0 : i32
    %c0_i32_0 = arith.constant 0 : i32
    %c0_i32_1 = arith.constant 0 : i32
    return %c0_i32, %c0_i32_0 : i32, i32
  }
  func.func @transform_2(%arg0: i32) -> (i32, i32) {
    %c0_i32 = arith.constant 0 : i32
    %c0_i32_0 = arith.constant 0 : i32
    %c0_i32_1 = arith.constant 0 : i32
    return %c0_i32, %c0_i32_0 : i32, i32
  }
  func.func @transform_3(%arg0: i32) -> (i32, i32) {
    %c0_i32 = arith.constant 0 : i32
    %c0_i32_0 = arith.constant 0 : i32
    return %arg0, %c0_i32 : i32, i32
  }
}

</mosaic_0001>

<sc_bundles>
// kernel: kernel.4.cloned.1.call-start
scs
__scs_entry_jumppad:
0x0: {  	(pc) =	sbr.rel $0x88, $3  }
0x1: {  	(tag) =	ssettag $0x0;
	lr =	simm.s32 $0x1  }
0x2: {  	[smem:$0x3F9D] =	sst lr;
	_ =	strace $0xD0000000  }
0x3: {  	_ = 	snop  }
0x4: {  	_ = 	snop  }
0x5: {  	_ = 	snop  }
0x6: {  	_ = 	snop  }
0x7: {  	_ = 	snop  }
__scs_overlays_trampoline_lowered:
0x8: {  	[smem:$0x3FAC] =	sst s0  }
0x9: {  	[smem:$0x3FAD] =	sst s1  }
0xa: {  	[smem:$0x3FAE] =	sst s2  }
0xb: {  	[smem:$0x3FAF] =	sst s3  }
0xc: {  	[smem:$0x3FB0] =	sst s4  }
0xd: {  	[smem:$0x3FB1] =	sst s5  }
0xe: {  	[smem:$0x3FB2] =	sst s6  }
0xf: {  	[smem:$0x3FB3] =	sst s7  }
0x10: {  	[smem:$0x3FB4] =	sst s8  }
0x11: {  	[smem:$0x3FB5] =	sst s9;
	s0 =	simm.s32 @!p0 $0x0  }
0x12: {  	s1 =	sld [smem:$0x3F9B];
	s0 =	simm.s32 @p0 $0x1  }
0x13: {  	[smem:$0x3FB6] =	sst s0;
	s0 =	simm.s32 @!p1 $0x0  }
0x14: {  	s2 =	sld [smem:$0x3F9A];
	s0 =	simm.s32 @p1 $0x1  }
0x15: {  	[smem:$0x3FB7] =	sst s0;
	s0 =	simm.s32 @!p2 $0x0  }
0x16: {  	s3 =	sld [smem:$0x3FDB];
	s0 =	simm.s32 @p2 $0x1  }
0x17: {  	s4 =	simm.s32 $0x1BF5;
	[smem:$0x3FB9] =	sst s0  }
0x18: {  	s0 =	sld [smem:$0x3F9C];
	_ =	swait.ge [sflag:s4], $0x0  }
0x19: {  	s7 =	sld [smem:$0x3F9D]  }
0x1a: {  	s8 =	sadd.s32 $0xFFFFE003, lr  }
0x1b: {  	s9 =	sadd.s32 $0xFFFFFEF7, lr;
	s5 =	simm.s32 $0xFFFFFFFF;
	p2 =	slt.u32 s8, $0xFFFFF086  }
0x1c: {  	p1 =	slt.u32 s9, $0xF7A;
	s5 =	simm.s32 @!p2 $0x0  }
0x1d: {  	s5 =	simm.s32 @p1 $0x1;
	p0 =	seq.s32 s7, s2  }
0x1e: {  	s7 =	smul.u32 @!p0 $0xF7A, s2;
	p2 =	seq.s32 @!p0 s5, $0x0  }
0x1f: {  	s9 =	smul.u32 $0xF7A, s1;
	s8 =	simm.s32 @!p0 $0x1BF5;
	p2 =	por !p2, p0  }
0x20: {  	[sflag:s8] =	ssyncset.s32 @!p0 $0xFFFFF086;
	s6 =	sadd.s32 @!p0 s3, s7;
	s7 =	simm.s32 @!p0 $0x108  }
0x21: {  	s3 =	sadd.s32 s3, s9;
	s6 =	sadd.s32 @!p0 $0x88, s6;
	s7 =	simm.s32 @p2 $0x1082  }
0x22: {  	[simem:s7], [sflag:s8] =	dma.local @!p0 [hbm:s6], $0xF7A  }
0x23: {  	s9 =	sor.u32 $0xD0000000, s2;
	s6 =	simm.s32 $0x108;
	_ =	swait.ge @!p0 [sflag:s8], $0x0  }
0x24: {  	s3 =	sadd.s32 $0x88, s3;
	s6 =	simm.s32 @!p1 $0x1082;
	[sflag:s4] =	ssyncset.s32 $0xFFFFF086  }
0x25: {  	[simem:s6], [sflag:s4] =	dma.local [hbm:s3], $0xF7A  }
0x26: {  	[smem:$0x3F9D] =	sst s1;
	(tag) =	ssettag s2;
	_ =	strace s9  }
0x27: {  	s1 =	sld [smem:$0x3FAD]  }
0x28: {  	s2 =	sld [smem:$0x3FAE]  }
0x29: {  	s4 =	sld [smem:$0x3FB0]  }
0x2a: {  	p0 =	seq.s32 s5, $0x0;
	s5 =	sld [smem:$0x3FB1]  }
0x2b: {  	s6 =	sld [smem:$0x3FB2]  }
0x2c: {  	s7 =	sld [smem:$0x3FB3]  }
0x2d: {  	s3 =	simm.s32 $0x108;
	s8 =	sld [smem:$0x3FB4]  }
0x2e: {  	s3 =	simm.s32 @!p0 $0x1082;
	s9 =	sld [smem:$0x3FB5]  }
0x2f: {  	lr =	sadd.s32 s0, s3;
	s0 =	sld [smem:$0x3FAC]  }
0x30: {  	s3 =	sld [smem:$0x3FAF]  }
0x31: {  	[smem:$0x3FB8] =	sst s10  }
0x32: {  	s10 =	sld [smem:$0x3FB6];
	_ =	sdelay $0x3  }
0x33: {  	p0 =	seq.s32 s10, $0x1;
	s10 =	sld [smem:$0x3FB8];
	_ =	sdelay $0x3  }
0x34: {  	[smem:$0x3FB8] =	sst s10  }
0x35: {  	s10 =	sld [smem:$0x3FB7];
	_ =	sdelay $0x3  }
0x36: {  	p1 =	seq.s32 s10, $0x1;
	s10 =	sld [smem:$0x3FB8];
	_ =	sdelay $0x3  }
0x37: {  	[smem:$0x3FB8] =	sst s10  }
0x38: {  	s10 =	sld [smem:$0x3FB9]  }
0x39: {  	_ = 	snop;
	(pc) =	sbr.ind lr, $3  }
0x3a: {  	_ = 	snop  }
0x3b: {  	_ = 	snop  }
0x3c: {  	p2 =	seq.s32 s10, $0x1;
	s10 =	sld [smem:$0x3FB8]  }
0x3d: {  	_ =	shalt  }
0x3e: {  	_ =	shalt  }
0x3f: {  	_ =	shalt  }
0x40: {  	_ =	shalt  }
0x41: {  	_ =	shalt  }
0x42: {  	_ =	shalt  }
0x43: {  	_ =	shalt  }
0x44: {  	_ =	shalt  }
0x45: {  	_ =	shalt  }
0x46: {  	_ =	shalt  }
0x47: {  	_ =	shalt  }
0x48: {  	_ =	shalt  }
0x49: {  	_ =	shalt  }
0x4a: {  	_ =	shalt  }
0x4b: {  	_ =	shalt  }
0x4c: {  	_ =	shalt  }
0x4d: {  	_ =	shalt  }
0x4e: {  	_ =	shalt  }
0x4f: {  	_ =	shalt  }
0x50: {  	_ =	shalt  }
0x51: {  	_ =	shalt  }
0x52: {  	_ =	shalt  }
0x53: {  	_ =	shalt  }
0x54: {  	_ =	shalt  }
0x55: {  	_ =	shalt  }
0x56: {  	_ =	shalt  }
0x57: {  	_ =	shalt  }
0x58: {  	_ =	shalt  }
0x59: {  	_ =	shalt  }
0x5a: {  	_ =	shalt  }
0x5b: {  	_ =	shalt  }
0x5c: {  	_ =	shalt  }
0x5d: {  	_ =	shalt  }
0x5e: {  	_ =	shalt  }
0x5f: {  	_ =	shalt  }
0x60: {  	_ =	shalt  }
0x61: {  	_ =	shalt  }
0x62: {  	_ =	shalt  }
0x63: {  	_ =	shalt  }
0x64: {  	_ =	shalt  }
0x65: {  	_ =	shalt  }
0x66: {  	_ =	shalt  }
0x67: {  	_ =	shalt  }
0x68: {  	_ =	shalt  }
0x69: {  	_ =	shalt  }
0x6a: {  	_ =	shalt  }
0x6b: {  	_ =	shalt  }
0x6c: {  	_ =	shalt  }
0x6d: {  	_ =	shalt  }
0x6e: {  	_ =	shalt  }
0x6f: {  	_ =	shalt  }
0x70: {  	_ =	shalt  }
0x71: {  	_ =	shalt  }
0x72: {  	_ =	shalt  }
0x73: {  	_ =	shalt  }
0x74: {  	_ =	shalt  }
0x75: {  	_ =	shalt  }
0x76: {  	_ =	shalt  }
0x77: {  	_ =	shalt  }
0x78: {  	_ =	shalt  }
0x79: {  	_ =	shalt  }
0x7a: {  	_ =	shalt  }
0x7b: {  	_ =	shalt  }
0x7c: {  	_ =	shalt  }
0x7d: {  	_ =	shalt  }
0x7e: {  	_ =	shalt  }
0x7f: {  	_ =	shalt  }
0x80: {  	_ =	shalt  }
0x81: {  	_ =	shalt  }
0x82: {  	_ =	shalt  }
0x83: {  	_ =	shalt  }
0x84: {  	_ =	shalt  }
0x85: {  	_ =	shalt  }
0x86: {  	_ =	shalt  }
0x87: {  	_ =	shalt  }
.Lfunc_end0:
.L_simem_size_0:
called_computation_lowered:
.L_overlay_start_0:
0x88: {  	s2 =	sld [smem:$0x3FD9]  }
0x89: {  	s3 =	sld [smem:$0x3FFE];
	_ =	sdelay $0x1  }
0x8a: {  	s1 =	srdreg.scid  }
0x8b: {  	s0 =	sand.u32 $0x1, s1  }
0x8c: {  	s17 =	sshll.u32 s0, $0xA;
	s2 =	sadd.s32 s3, s2  }
0x8d: {  	s2 =	sadd.s32 s2, s17  }
0x8e: {  	[smem:$0x3FC4] =	sst s2  }
0x8f: {  	_ = 	snop  }
0x90: {  	s2 =	sld [smem:$0x3FC8]  }
0x91: {  	s18 =	sld [smem:$0x3FD0];
	(tm) =	ssettm $0x1  }
0x92: {  	s4 =	sld [smem:$0x3FFB];
	_ =	sdelay $0x3  }
0x93: {  	_ =	strace s4  }
0x94: {  	s4 =	sld [smem:$0x3FFC];
	_ =	sdelay $0x3  }
0x95: {  	_ =	strace s4  }
0x96: {  	s4 =	sld [smem:$0x3FFD];
	_ =	sdelay $0x3  }
0x97: {  	_ =	strace s4  }
0x98: {  	_ =	strace $0x8FFFFFFF  }
0x99: {  	s19 =	sld [smem:$0x3FDB];
	_ =	sdelay $0x1  }
0x9a: {  	s5 =	simm.s32 $_scs_section_size  }
0x9b: {  	s6 =	simm.s32 $_size__tile_overlayer_lowered;
	s7 =	simm.s32 $_tile_overlayer_lowered  }
0x9c: {  	s22 =	simm.s32 $0x1BFF;
	s21 =	sshll.u32 s7, $0x1;
	s4 =	sadd.s32 s5, s19  }
0x9d: {  	s8 =	simm.s32 $0x0;
	s20 =	sshll.u32 s6, $0x1;
	s6 =	sadd.s32 s21, s4  }
0x9e: {  	[timem:s8], [sflag:s22] =	dma.local [hbm:s6], s20  }
0x9f: {  	_ =	swait.ge [sflag:s22], s20  }
0xa0: {  	s5 =	ssub.s32 $0x0, s20;
	[sflag:s22] =	ssyncset.done $0x0  }
0xa1: {  	[sflag:s22] =	ssyncadd.s32 s5;
	_ =	sdelay $0x1  }
0xa2: {  	s23 =	simm.s32 $0x1B8B  }
0xa3: {  	_ =	swait.ge [sflag:s23], $0x1  }
0xa4: {  	[sflag:s23] =	ssyncset.done $0x0  }
0xa5: {  	s25 =	simm.s32 $0x1B8E;
	s24 =	sld [smem:$0x3FFE];
	[sflag:s23] =	ssyncadd.s32 $0xFFFFFFFF  }
0xa6: {  	s26 =	simm.s32 $execute0_lowered;
	[smem:$0x3FD2] =	sst s25  }
0xa7: {  	s6 =	sshll.u32 s26, $0x1;
	_ =	strace $0x80000046;
	[dreg:$0x1] =	wrdreg $0xFFFFFFFF  }
0xa8: {  	s28 =	simm.s32 $_size_execute0_lowered;
	s4 =	sadd.s32 s4, s6;
	[dreg:$0x0] =	wrdreg $0x0  }
0xa9: {  	s6 =	sshll.u32 s28, $0x1;
	[dreg:$0x2] =	wrdreg s4  }
0xaa: {  	[dreg:$0x3] =	wrdreg s6  }
0xab: {  	[dreg:$0x4] =	wrdreg $0xC0  }
0xac: {  	_ =	task [dreg:s8], $0x5FFFF  }
0xad: {  	[dreg:$0x1] =	wrdreg $0xFFFFFFFF  }
0xae: {  	[dreg:$0x0] =	wrdreg $0x60  }
0xaf: {  	[dreg:$0x2] =	wrdreg s18  }
0xb0: {  	[dreg:$0x3] =	wrdreg s2  }
0xb1: {  	[dreg:$0x4] =	wrdreg s24  }
0xb2: {  	[dreg:$0x5] =	wrdreg $0x9  }
0xb3: {  	_ =	task.clear_ibuf [dreg:s8], $0x6FFFF;
	_ =	strace $0x90000046  }
0xb4: {  	s29 =	simm.s32 $0x9;
	_ =	strace $0x80000048  }
0xb5: {  	_ =	swait.ge [sflag:s29], $0x1  }
0xb6: {  	[sflag:s29] =	ssyncadd.s32 $0xFFFFFFFF  }
0xb7: {  	_ =	strace $0x90000048  }
0xb8: {  	_ =	sfence  }
0xb9: {  	s30 =	sld [smem:$0x0];
	_ =	sdelay $0x2  }
0xba: {  	s31 =	sshll.u32 s1, $0xD;
	s1 =	sshrl.u32 s1, $0x2  }
0xbb: {  	s3 =	sand.u32 $0x4000, s31;
	s1 =	sadd.s32 s1, s30  }
0xbc: {  	s0 =	sor.u32 s3, s0;
	s1 =	sshll.u32 s1, $0x11  }
0xbd: {  	s0 =	sor.u32 s1, s0  }
0xbe: {  	s0 =	sadd.s32 $0x8F2B, s0  }
0xbf: {  	[sflag:s0] =	ssyncadd.remote.s32 $0x1  }
0xc0: {  	_ =	sfence.sel $0xFFFF  }
0xc1: {  	[dreg:$0x0] =	wrdreg $0xFFFFFFFF;
	(pc) =	sbr.abs _section_cstart, $3  }
0xc2: {  	[dreg:$0x1] =	wrdreg $0xFFFFFFFF  }
0xc3: {  	_ =	task.clear_ibuf [dreg:s8], $0x2FFFF;
	_ =	strace $0x9FFFFFFF  }
0xc4: {  	(tm) =	ssettm $0x7FFFFFFF  }
0xc5: {  	_ =	shalt  }
tec
execute0_lowered:
.L_overlay_start_1:
0x0: {  	(tag) =	ssettag $0x1  }
0x1: {  	s4 =	rddreg [dreg:$0x0]  }
0x2: {  	s2 =	rddreg [dreg:$0x1]  }
0x3: {  	s1 =	srdreg.scid;
	s0 =	stileid.u32  }
0x4: {  	s5 =	rddreg [dreg:$0x2];
	s3 =	simm.s32 $0x0;
	s10 =	simm.s32 $0x1  }
0x5: {  	s11 =	simm.s32 $0x100;
	s12 =	simm.s32 $0x180;
	s13 =	simm.s32 $0x200  }
0x6: {  	s14 =	simm.s32 $0x280;
	s15 =	simm.s32 $0x300;
	s16 =	simm.s32 $0x380  }
0x7: {  	s17 =	simm.s32 $0x400;
	s18 =	simm.s32 $0x6080;
	s19 =	simm.s32 $0x6100  }
0x8: {  	s20 =	simm.s32 $0x6180;
	s21 =	simm.s32 $0x6200;
	s22 =	simm.s32 $0x6280  }
0x9: {  	s23 =	simm.s32 $0x6300;
	s24 =	simm.s32 $0x6380;
	s25 =	simm.s32 $0x0  }
0xa: {  	s6 =	sand.u32 $0x1, s1;
	s7 =	sshll.u32 s0, $0x1;
	s1 =	rddreg [dreg:$0x3]  }
0xb: {  	[smem:$0x7FF] =	sst s3;
	s7 =	sor.u32 s6, s7;
	s6 =	ssub.s32 $0x2, s6  }
0xc: {  	s8 =	smul.u32 $0xC80, s7;
	s7 =	sshll.u32 s7, $0xB;
	s9 =	sshrl.u32 s6, $0x1  }
0xd: {  	_ =	strace $0x80000047;
	s5 =	sadd.s32 s7, s5;
	s6 =	ssub.s32 s6, s9  }
0xe: {  	s7 =	simm.s32 $0x2;
	s9 =	simm.s32 $0x6400;
	s4 =	sadd.s32 s4, s8  }
0xf: {  	s5 =	sadd.s32 $0xE00, s5;
	s6 =	smax.u32 s6, $0x1;
	s8 =	simm.s32 $0x80  }
.LBB2_1:
0x10: {  	[tilespmem:s3], [sflag:$0x2] =	stream.linear.gather [hbm4b:s4+s3], $0x6400, $0x38;
	[tilespmem:$0xA400] =	vst v63  }
0x11: {  	_ =	swait.ge [sflag:s7], $0x6400  }
0x12: {  	[sflag:s7] =	ssyncset.done $0x0  }
0x13: {  	[sflag:s7] =	ssyncadd.s32 $0xFFFF9C00  }
0x14: {  	[tilespmem:s9], [sflag:$0x1] =	stream.indirect.gather [hbm4b:s2+s8], $0x80, s3, s8, $0xb8;
	[tilespmem:$0xA400] =	vst v63  }
0x15: {  	_ =	swait.ge [sflag:s10], $0x4000  }
0x16: {  	[sflag:s10] =	ssyncset.done $0x0  }
0x17: {  	[sflag:s10] =	ssyncadd.s32 $0xFFFFC000  }
0x18: {  	[tilespmem:s9], [sflag:$0x1] =	stream.indirect.gather.add.f32 [hbm:s2], $0x80, s8, s8, $0xb8;
	[tilespmem:$0xA400] =	vst v63  }
0x19: {  	_ = 	snop  }
0x1a: {  	[tilespmem:s9], [sflag:$0x1] =	stream.indirect.gather.add.f32 [hbm:s2], $0x80, s11, s8, $0xb8;
	[tilespmem:$0xA400] =	vst v63  }
0x1b: {  	_ = 	snop  }
0x1c: {  	[tilespmem:s9], [sflag:$0x1] =	stream.indirect.gather.add.f32 [hbm:s2], $0x80, s12, s8, $0xb8;
	[tilespmem:$0xA400] =	vst v63  }
0x1d: {  	_ = 	snop  }
0x1e: {  	[tilespmem:s9], [sflag:$0x1] =	stream.indirect.gather.add.f32 [hbm:s2], $0x80, s13, s8, $0xb8;
	[tilespmem:$0xA400] =	vst v63  }
0x1f: {  	_ = 	snop  }
0x20: {  	[tilespmem:s9], [sflag:$0x1] =	stream.indirect.gather.add.f32 [hbm:s2], $0x80, s14, s8, $0xb8;
	[tilespmem:$0xA400] =	vst v63  }
0x21: {  	_ = 	snop  }
0x22: {  	[tilespmem:s9], [sflag:$0x1] =	stream.indirect.gather.add.f32 [hbm:s2], $0x80, s15, s8, $0xb8;
	[tilespmem:$0xA400] =	vst v63  }
0x23: {  	_ = 	snop  }
0x24: {  	[tilespmem:s9], [sflag:$0x1] =	stream.indirect.gather.add.f32 [hbm:s2], $0x80, s16, s8, $0xb8;
	[tilespmem:$0xA400] =	vst v63  }
0x25: {  	_ = 	snop  }
0x26: {  	[tilespmem:s9], [sflag:$0x1] =	stream.indirect.gather.add.f32 [hbm:s2], $0x80, s17, s8, $0xb8;
	[tilespmem:$0xA400] =	vst v63  }
0x27: {  	s26 =	simm.s32 $0x480  }
0x28: {  	[tilespmem:s9], [sflag:$0x1] =	stream.indirect.gather.add.f32 [hbm:s2], $0x80, s26, s8, $0xb8;
	[tilespmem:$0xA400] =	vst v63  }
0x29: {  	s31 =	simm.s32 $0x500  }
0x2a: {  	[tilespmem:s9], [sflag:$0x1] =	stream.indirect.gather.add.f32 [hbm:s2], $0x80, s31, s8, $0xb8;
	[tilespmem:$0xA400] =	vst v63  }
0x2b: {  	s28 =	simm.s32 $0x580  }
0x2c: {  	[tilespmem:s9], [sflag:$0x1] =	stream.indirect.gather.add.f32 [hbm:s2], $0x80, s28, s8, $0xb8;
	[tilespmem:$0xA400] =	vst v63  }
0x2d: {  	s31 =	simm.s32 $0x600  }
0x2e: {  	[tilespmem:s9], [sflag:$0x1] =	stream.indirect.gather.add.f32 [hbm:s2], $0x80, s31, s8, $0xb8;
	[tilespmem:$0xA400] =	vst v63  }
0x2f: {  	s28 =	simm.s32 $0x680  }
0x30: {  	[tilespmem:s9], [sflag:$0x1] =	stream.indirect.gather.add.f32 [hbm:s2], $0x80, s28, s8, $0xb8;
	[tilespmem:$0xA400] =	vst v63  }
0x31: {  	s31 =	simm.s32 $0x700  }
0x32: {  	[tilespmem:s9], [sflag:$0x1] =	stream.indirect.gather.add.f32 [hbm:s2], $0x80, s31, s8, $0xb8;
	[tilespmem:$0xA400] =	vst v63  }
0x33: {  	s28 =	simm.s32 $0x780  }
0x34: {  	[tilespmem:s9], [sflag:$0x1] =	stream.indirect.gather.add.f32 [hbm:s2], $0x80, s28, s8, $0xb8;
	[tilespmem:$0xA400] =	vst v63  }
0x35: {  	s31 =	simm.s32 $0x800  }
0x36: {  	[tilespmem:s9], [sflag:$0x1] =	stream.indirect.gather.add.f32 [hbm:s2], $0x80, s31, s8, $0xb8;
	[tilespmem:$0xA400] =	vst v63  }
0x37: {  	_ =	swait.ge [sflag:s10], $0x4000  }
0x38: {  	[sflag:s10] =	ssyncset.done $0x0  }
0x39: {  	[sflag:s10] =	ssyncadd.s32 $0xFFFFC000  }
0x3a: {  	_ =	swait.ge [sflag:s10], $0x4000  }
0x3b: {  	[sflag:s10] =	ssyncset.done $0x0  }
0x3c: {  	[sflag:s10] =	ssyncadd.s32 $0xFFFFC000  }
0x3d: {  	_ =	swait.ge [sflag:s10], $0x4000  }
0x3e: {  	[sflag:s10] =	ssyncset.done $0x0  }
0x3f: {  	[sflag:s10] =	ssyncadd.s32 $0xFFFFC000  }
0x40: {  	_ =	swait.ge [sflag:s10], $0x4000  }
0x41: {  	[sflag:s10] =	ssyncset.done $0x0  }
0x42: {  	[sflag:s10] =	ssyncadd.s32 $0xFFFFC000  }
0x43: {  	_ =	swait.ge [sflag:s10], $0x4000  }
0x44: {  	[sflag:s10] =	ssyncset.done $0x0  }
0x45: {  	[sflag:s10] =	ssyncadd.s32 $0xFFFFC000  }
0x46: {  	_ =	swait.ge [sflag:s10], $0x4000  }
0x47: {  	[sflag:s10] =	ssyncset.done $0x0  }
0x48: {  	[sflag:s10] =	ssyncadd.s32 $0xFFFFC000  }
0x49: {  	_ =	swait.ge [sflag:s10], $0x4000  }
0x4a: {  	[sflag:s10] =	ssyncset.done $0x0  }
0x4b: {  	[sflag:s10] =	ssyncadd.s32 $0xFFFFC000  }
0x4c: {  	_ =	swait.ge [sflag:s10], $0x4000  }
0x4d: {  	s30 =	simm.s32 $0x2000;
	s29 =	simm.s32 $0x400;
	[sflag:s10] =	ssyncset.done $0x0  }
.LBB2_2:
0x4e: {  	s31 =	sadd.s32 $0x480, s29  }
0x4f: {  	[sflag:s10] =	ssyncadd.s32 $0xFFFFC000;
	s28 =	smov.u32 s30;
	s26 =	sadd.s32 $0x1000, s30  }
0x50: {  	[tilespmem:s9], [sflag:$0x1] =	stream.indirect.gather.add.f32 [hbm:s2], $0x80, s31, s8, $0xb8;
	[tilespmem:$0xA400] =	vst v63  }
0x51: {  	p0 =	sne.s32 s30, $0x16000;
	s30 =	sadd.s32 $0x500, s29  }
0x52: {  	[tilespmem:s9], [sflag:$0x1] =	stream.indirect.gather.add.f32 [hbm:s2], $0x80, s30, s8, $0xb8;
	[tilespmem:$0xA400] =	vst v63  }
0x53: {  	s30 =	sadd.s32 $0x580, s29  }
0x54: {  	[tilespmem:s9], [sflag:$0x1] =	stream.indirect.gather.add.f32 [hbm:s2], $0x80, s30, s8, $0xb8;
	[tilespmem:$0xA400] =	vst v63  }
0x55: {  	s30 =	sadd.s32 $0x600, s29  }
0x56: {  	[tilespmem:s9], [sflag:$0x1] =	stream.indirect.gather.add.f32 [hbm:s2], $0x80, s30, s8, $0xb8;
	[tilespmem:$0xA400] =	vst v63  }
0x57: {  	s30 =	sadd.s32 $0x680, s29  }
0x58: {  	[tilespmem:s9], [sflag:$0x1] =	stream.indirect.gather.add.f32 [hbm:s2], $0x80, s30, s8, $0xb8;
	[tilespmem:$0xA400] =	vst v63  }
0x59: {  	s30 =	sadd.s32 $0x700, s29  }
0x5a: {  	[tilespmem:s9], [sflag:$0x1] =	stream.indirect.gather.add.f32 [hbm:s2], $0x80, s30, s8, $0xb8;
	[tilespmem:$0xA400] =	vst v63  }
0x5b: {  	s30 =	sadd.s32 $0x780, s29  }
0x5c: {  	[tilespmem:s9], [sflag:$0x1] =	stream.indirect.gather.add.f32 [hbm:s2], $0x80, s30, s8, $0xb8;
	[tilespmem:$0xA400] =	vst v63  }
0x5d: {  	s29 =	sadd.s32 $0x800, s29  }
0x5e: {  	[tilespmem:s9], [sflag:$0x1] =	stream.indirect.gather.add.f32 [hbm:s2], $0x80, s29, s8, $0xb8;
	[tilespmem:$0xA400] =	vst v63  }
0x5f: {  	_ =	swait.ge [sflag:s10], $0x4000  }
0x60: {  	[sflag:s10] =	ssyncset.done $0x0  }
0x61: {  	[sflag:s10] =	ssyncadd.s32 $0xFFFFC000  }
0x62: {  	_ =	swait.ge [sflag:s10], $0x4000  }
0x63: {  	[sflag:s10] =	ssyncset.done $0x0  }
0x64: {  	[sflag:s10] =	ssyncadd.s32 $0xFFFFC000  }
0x65: {  	_ =	swait.ge [sflag:s10], $0x4000  }
0x66: {  	[sflag:s10] =	ssyncset.done $0x0  }
0x67: {  	[sflag:s10] =	ssyncadd.s32 $0xFFFFC000  }
0x68: {  	_ =	swait.ge [sflag:s10], $0x4000  }
0x69: {  	[sflag:s10] =	ssyncset.done $0x0  }
0x6a: {  	[sflag:s10] =	ssyncadd.s32 $0xFFFFC000  }
0x6b: {  	_ =	swait.ge [sflag:s10], $0x4000  }
0x6c: {  	[sflag:s10] =	ssyncset.done $0x0  }
0x6d: {  	[sflag:s10] =	ssyncadd.s32 $0xFFFFC000  }
0x6e: {  	_ =	swait.ge [sflag:s10], $0x4000  }
0x6f: {  	[sflag:s10] =	ssyncset.done $0x0  }
0x70: {  	[sflag:s10] =	ssyncadd.s32 $0xFFFFC000  }
.Ltmp0:
0x71: {  	_ =	swait.ge [sflag:s10], $0x4000;
	(pc) =	sbr.rel @p0 .LBB2_2-.Ltmp0, $4  }
0x72: {  	[sflag:s10] =	ssyncset.done $0x0  }
0x73: {  	[sflag:s10] =	ssyncadd.s32 $0xFFFFC000  }
0x74: {  	_ =	swait.ge [sflag:s10], $0x4000  }
0x75: {  	s30 =	smov.u32 s26;
	s29 =	sshra.s32 s28, $0x2;
	[sflag:s10] =	ssyncset.done $0x0  }
0x76: {  	s26 =	sadd.s32 $0x480, s29;
	[sflag:s10] =	ssyncadd.s32 $0xFFFFC000  }
0x77: {  	[tilespmem:s9], [sflag:$0x1] =	stream.indirect.gather.add.f32 [hbm:s2], $0x80, s26, s8, $0xb8;
	[tilespmem:$0xA400] =	vst v63  }
0x78: {  	s31 =	sadd.s32 $0x500, s29  }
0x79: {  	[tilespmem:s9], [sflag:$0x1] =	stream.indirect.gather.add.f32 [hbm:s2], $0x80, s31, s8, $0xb8;
	[tilespmem:$0xA400] =	vst v63  }
0x7a: {  	s28 =	sadd.s32 $0x580, s29  }
0x7b: {  	[tilespmem:s9], [sflag:$0x1] =	stream.indirect.gather.add.f32 [hbm:s2], $0x80, s28, s8, $0xb8;
	[tilespmem:$0xA400] =	vst v63  }
0x7c: {  	s30 =	sadd.s32 $0x600, s29  }
0x7d: {  	[tilespmem:s9], [sflag:$0x1] =	stream.indirect.gather.add.f32 [hbm:s2], $0x80, s30, s8, $0xb8;
	[tilespmem:$0xA400] =	vst v63  }
0x7e: {  	s31 =	sadd.s32 $0x680, s29  }
0x7f: {  	[tilespmem:s9], [sflag:$0x1] =	stream.indirect.gather.add.f32 [hbm:s2], $0x80, s31, s8, $0xb8;
	[tilespmem:$0xA400] =	vst v63  }
0x80: {  	s28 =	sadd.s32 $0x700, s29  }
0x81: {  	[tilespmem:s9], [sflag:$0x1] =	stream.indirect.gather.add.f32 [hbm:s2], $0x80, s28, s8, $0xb8;
	[tilespmem:$0xA400] =	vst v63  }
0x82: {  	s30 =	sadd.s32 $0x780, s29  }
0x83: {  	[tilespmem:s9], [sflag:$0x1] =	stream.indirect.gather.add.f32 [hbm:s2], $0x80, s30, s8, $0xb8;
	[tilespmem:$0xA400] =	vst v63  }
0x84: {  	s31 =	sadd.s32 $0x800, s29  }
0x85: {  	[tilespmem:s9], [sflag:$0x1] =	stream.indirect.gather.add.f32 [hbm:s2], $0x80, s31, s8, $0xb8;
	[tilespmem:$0xA400] =	vst v63  }
0x86: {  	_ =	swait.ge [sflag:s10], $0x4000  }
0x87: {  	[sflag:s10] =	ssyncset.done $0x0  }
0x88: {  	[sflag:s10] =	ssyncadd.s32 $0xFFFFC000  }
0x89: {  	_ =	swait.ge [sflag:s10], $0x4000  }
0x8a: {  	[sflag:s10] =	ssyncset.done $0x0  }
0x8b: {  	[sflag:s10] =	ssyncadd.s32 $0xFFFFC000  }
0x8c: {  	_ =	swait.ge [sflag:s10], $0x4000  }
0x8d: {  	[sflag:s10] =	ssyncset.done $0x0  }
0x8e: {  	[sflag:s10] =	ssyncadd.s32 $0xFFFFC000  }
0x8f: {  	_ =	swait.ge [sflag:s10], $0x4000  }
0x90: {  	[sflag:s10] =	ssyncset.done $0x0  }
0x91: {  	[sflag:s10] =	ssyncadd.s32 $0xFFFFC000  }
0x92: {  	_ =	swait.ge [sflag:s10], $0x4000  }
0x93: {  	[sflag:s10] =	ssyncset.done $0x0  }
0x94: {  	[sflag:s10] =	ssyncadd.s32 $0xFFFFC000  }
0x95: {  	_ =	swait.ge [sflag:s10], $0x4000  }
0x96: {  	[sflag:s10] =	ssyncset.done $0x0  }
0x97: {  	[sflag:s10] =	ssyncadd.s32 $0xFFFFC000  }
0x98: {  	_ =	swait.ge [sflag:s10], $0x4000  }
0x99: {  	[sflag:s10] =	ssyncset.done $0x0  }
0x9a: {  	[sflag:s10] =	ssyncadd.s32 $0xFFFFC000  }
0x9b: {  	_ =	swait.ge [sflag:s10], $0x4000  }
0x9c: {  	[sflag:s10] =	ssyncset.done $0x0  }
0x9d: {  	[sflag:s10] =	ssyncadd.s32 $0xFFFFC000  }
0x9e: {  	[tilespmem:s9], [sflag:$0x1] =	stream.indirect.gather.add.f32 [hbm:s2], $0x80, s18, s8, $0xb8;
	[tilespmem:$0xA400] =	vst v63  }
0x9f: {  	_ = 	snop  }
0xa0: {  	[tilespmem:s9], [sflag:$0x1] =	stream.indirect.gather.add.f32 [hbm:s2], $0x80, s19, s8, $0xb8;
	[tilespmem:$0xA400] =	vst v63  }
0xa1: {  	_ = 	snop  }
0xa2: {  	[tilespmem:s9], [sflag:$0x1] =	stream.indirect.gather.add.f32 [hbm:s2], $0x80, s20, s8, $0xb8;
	[tilespmem:$0xA400] =	vst v63  }
0xa3: {  	_ = 	snop  }
0xa4: {  	[tilespmem:s9], [sflag:$0x1] =	stream.indirect.gather.add.f32 [hbm:s2], $0x80, s21, s8, $0xb8;
	[tilespmem:$0xA400] =	vst v63  }
0xa5: {  	_ = 	snop  }
0xa6: {  	[tilespmem:s9], [sflag:$0x1] =	stream.indirect.gather.add.f32 [hbm:s2], $0x80, s22, s8, $0xb8;
	[tilespmem:$0xA400] =	vst v63  }
0xa7: {  	_ = 	snop  }
0xa8: {  	[tilespmem:s9], [sflag:$0x1] =	stream.indirect.gather.add.f32 [hbm:s2], $0x80, s23, s8, $0xb8;
	[tilespmem:$0xA400] =	vst v63  }
0xa9: {  	_ = 	snop  }
0xaa: {  	[tilespmem:s9], [sflag:$0x1] =	stream.indirect.gather.add.f32 [hbm:s2], $0x80, s24, s8, $0xb8;
	[tilespmem:$0xA400] =	vst v63  }
0xab: {  	_ =	swait.ge [sflag:s10], $0x4000  }
0xac: {  	[sflag:s10] =	ssyncset.done $0x0  }
0xad: {  	[sflag:s10] =	ssyncadd.s32 $0xFFFFC000  }
0xae: {  	_ =	swait.ge [sflag:s10], $0x4000  }
0xaf: {  	[sflag:s10] =	ssyncset.done $0x0  }
0xb0: {  	[sflag:s10] =	ssyncadd.s32 $0xFFFFC000  }
0xb1: {  	_ =	swait.ge [sflag:s10], $0x4000  }
0xb2: {  	[sflag:s10] =	ssyncset.done $0x0  }
0xb3: {  	[sflag:s10] =	ssyncadd.s32 $0xFFFFC000  }
0xb4: {  	_ =	swait.ge [sflag:s10], $0x4000  }
0xb5: {  	[sflag:s10] =	ssyncset.done $0x0  }
0xb6: {  	[sflag:s10] =	ssyncadd.s32 $0xFFFFC000  }
0xb7: {  	_ =	swait.ge [sflag:s10], $0x4000  }
0xb8: {  	[sflag:s10] =	ssyncset.done $0x0  }
0xb9: {  	[sflag:s10] =	ssyncadd.s32 $0xFFFFC000  }
0xba: {  	_ =	swait.ge [sflag:s10], $0x4000  }
0xbb: {  	[sflag:s10] =	ssyncset.done $0x0  }
0xbc: {  	[sflag:s10] =	ssyncadd.s32 $0xFFFFC000  }
0xbd: {  	_ =	swait.ge [sflag:s10], $0x4000  }
0xbe: {  	[sflag:s10] =	ssyncset.done $0x0  }
0xbf: {  	[sflag:s10] =	ssyncadd.s32 $0xFFFFC000  }
0xc0: {  	_ =	swait.ge [sflag:s10], $0x4000  }
0xc1: {  	[sflag:s10] =	ssyncset.done $0x0  }
0xc2: {  	[sflag:s10] =	ssyncadd.s32 $0xFFFFC000  }
0xc3: {  	_ =	swait.ge [sflag:s10], $0x4000  }
0xc4: {  	[sflag:s10] =	ssyncset.done $0x0  }
0xc5: {  	[sflag:s10] =	ssyncadd.s32 $0xFFFFC000  }
0xc6: {  	_ =	swait.ge [sflag:s10], $0x4000  }
0xc7: {  	[sflag:s10] =	ssyncset.done $0x0  }
0xc8: {  	[sflag:s10] =	ssyncadd.s32 $0xFFFFC000  }
0xc9: {  	_ =	swait.ge [sflag:s10], $0x4000  }
0xca: {  	[sflag:s10] =	ssyncset.done $0x0  }
0xcb: {  	[sflag:s10] =	ssyncadd.s32 $0xFFFFC000  }
0xcc: {  	_ =	swait.ge [sflag:s10], $0x4000  }
0xcd: {  	[sflag:s10] =	ssyncset.done $0x0  }
0xce: {  	[sflag:s10] =	ssyncadd.s32 $0xFFFFC000  }
0xcf: {  	_ =	swait.ge [sflag:s10], $0x4000  }
0xd0: {  	[sflag:s10] =	ssyncset.done $0x0  }
0xd1: {  	[sflag:s10] =	ssyncadd.s32 $0xFFFFC000  }
0xd2: {  	_ =	swait.ge [sflag:s10], $0x4000  }
0xd3: {  	[sflag:s10] =	ssyncset.done $0x0  }
0xd4: {  	[sflag:s10] =	ssyncadd.s32 $0xFFFFC000  }
0xd5: {  	s25 =	sadd.s32 $0x1, s25;
	_ =	swait.ge [sflag:s10], $0x4000  }
0xd6: {  	p0 =	sne.s32 s25, s6;
	[sflag:s10] =	ssyncset.done $0x0  }
.Ltmp1:
0xd7: {  	[sflag:s10] =	ssyncadd.s32 $0xFFFFC000;
	(pc) =	sbr.rel @p0 .LBB2_1-.Ltmp1, $4  }
0xd8: {  	[hbm4b:s5+s3] =	stream.linear.scatter [tilespmem:s9], [sflag:$0x2], $0x4000, $0x38;
	[tilespmem:$0xA400] =	vst v63  }
0xd9: {  	_ =	swait.ge [sflag:s7], $0x4000  }
0xda: {  	[sflag:s7] =	ssyncset.done $0x0  }
0xdb: {  	[sflag:s7] =	ssyncadd.s32 $0xFFFFC000  }
0xdc: {  	_ =	sfence.sel $0x180000  }
0xdd: {  	[bflag:$0x0] =	sbarrier.arrive $0xFFFF  }
0xde: {  	p0 =	sne.s32 s0, $0x0;
	_ =	strace $0x90000047  }
0xdf: {  	s0 =	sadd.s32 @!p0 $0x100000, s1;
	[bflag:$0x2] =	sbarrier.arrive $0xFFFF  }
0xe0: {  	[sflag:s0] =	ssyncadd.tile.s32 @!p0 $0x1;
	_ =	shalt  }
.Lfunc_end2:
_tile_overlayer_lowered:
.L_overlay_start_2:
0xe1: {  	(tag) =	ssettag $0x2  }
0xe2: {  	s0 =	rddreg [dreg:$0x0];
	s2 =	stileid.u32  }
0xe3: {  	s1 =	rddreg [dreg:$0x1];
	p0 =	sne.s32 s2, $0x0  }
0xe4: {  	s3 =	rddreg [dreg:$0x2];
	[bflag:$0x3] =	sbarrier.arrive $0xFFFF;
	s2 =	simm.s32 @!p0 $0x1C02  }
0xe5: {  	[timem:s3], [sflag:s2] =	dma.local @!p0 [hbm:s0], s1  }
0xe6: {  	s0 =	simm.s32 @!p0 $0x2  }
0xe7: {  	_ =	swait.ge @!p0 [sflag:s0], s1  }
0xe8: {  	s1 =	ssub.s32 @!p0 $0x0, s1;
	[sflag:s0] =	ssyncset.done @!p0 $0x0  }
0xe9: {  	[sflag:s0] =	ssyncadd.s32 @!p0 s1  }
0xea: {  	[bflag:$0x3] =	sbarrier.arrive $0xFFFF  }
0xeb: {  	_ =	shalt  }

</sc_bundles>
